<compile_context>
chip_gen: v7x
topology: tpu7x:2x2x1
jax: 0.10.2.dev20260603
libtpu: 0.0.44.dev20260713+nightly
codegen_flags: <defaults>
</compile_context>

<pallas_src>
import functools

import jax
import jax.numpy as jnp
from jax import lax
from jax.experimental import pallas as pl
from jax.experimental.pallas import tpu as pltpu
from jax.experimental.pallas import tpu_sc as plsc

N_NODES = 10000
N_PAD = 10016
NC = 2
NS = 16
NW = NC * NS
K = 128
DEG_W = 16
ROW_BLK = 2000


def _sc_mesh():
    return plsc.VectorSubcoreMesh(core_axis_name="c", subcore_axis_name="s")


def _sc_degree(dst3, ones, zeros):
    cpt = dst3.shape[1]

    @functools.partial(
        pl.kernel,
        mesh=_sc_mesh(),
        out_type=jax.ShapeDtypeStruct((NC, N_PAD, DEG_W), jnp.float32),
        compiler_params=pltpu.CompilerParams(use_tc_tiling_on_sc=False),
        scratch_types=[
            pltpu.VMEM((cpt, K), jnp.int32),
            pltpu.VMEM((K, DEG_W), jnp.float32),
            pltpu.VMEM_SHARED((N_PAD, DEG_W), jnp.float32),
        ],
    )
    def k(dst_hbm, ones_hbm, zeros_hbm, out_hbm, idx_v, ones_v, acc_sh):
        cid = lax.axis_index("c")
        sid = lax.axis_index("s")
        wid = cid * NS + sid
        pltpu.sync_copy(dst_hbm.at[wid], idx_v)
        pltpu.sync_copy(ones_hbm, ones_v)

        @pl.when(sid == 0)
        def _():
            pltpu.sync_copy(zeros_hbm, acc_sh)

        plsc.subcore_barrier()

        def body(c, carry):
            pltpu.sync_copy(ones_v, acc_sh.at[idx_v.at[c]], add=True)
            return carry

        lax.fori_loop(0, cpt, body, 0)

        plsc.subcore_barrier()

        @pl.when(sid == 0)
        def _():
            pltpu.sync_copy(acc_sh, out_hbm.at[cid])

    return k(dst3, ones, zeros)


def _sc_gather_scatter(table, src3, dst3, zeros, feat):
    cpt = src3.shape[1]

    @functools.partial(
        pl.kernel,
        mesh=_sc_mesh(),
        out_type=jax.ShapeDtypeStruct((NC, N_PAD, feat), jnp.float32),
        compiler_params=pltpu.CompilerParams(use_tc_tiling_on_sc=False),
        scratch_types=[
            pltpu.VMEM((cpt, K), jnp.int32),
            pltpu.VMEM((cpt, K), jnp.int32),
            pltpu.VMEM((K, feat), jnp.float32),
            pltpu.VMEM((K, feat), jnp.float32),
            pltpu.VMEM((K, feat), jnp.float32),
            pltpu.VMEM((K, feat), jnp.float32),
            pltpu.VMEM_SHARED((N_PAD, feat), jnp.float32),
            pltpu.SemaphoreType.DMA,
            pltpu.SemaphoreType.DMA,
            pltpu.SemaphoreType.DMA,
            pltpu.SemaphoreType.DMA,
            pltpu.SemaphoreType.DMA,
            pltpu.SemaphoreType.DMA,
            pltpu.SemaphoreType.DMA,
            pltpu.SemaphoreType.DMA,
        ],
    )
    def k(tab_hbm, src_hbm, dst_hbm, zeros_hbm, out_hbm,
          src_v, dst_v, b0, b1, b2, b3, acc_sh,
          gs0, gs1, gs2, gs3, ss0, ss1, ss2, ss3):
        cid = lax.axis_index("c")
        sid = lax.axis_index("s")
        wid = cid * NS + sid
        pltpu.sync_copy(src_hbm.at[wid], src_v)
        pltpu.sync_copy(dst_hbm.at[wid], dst_v)

        @pl.when(sid == 0)
        def _():
            pltpu.sync_copy(zeros_hbm, acc_sh)

        plsc.subcore_barrier()

        bufs = (b0, b1, b2, b3)
        gsem = (gs0, gs1, gs2, gs3)
        ssem = (ss0, ss1, ss2, ss3)
        assert cpt % 4 == 3

        def wait_scatter(x, t):
            pltpu.make_async_copy(bufs[x], acc_sh.at[dst_v.at[t]],
                                  ssem[x]).wait()

        def wait_gather(x, t):
            pltpu.make_async_copy(tab_hbm.at[src_v.at[t]], bufs[x],
                                  gsem[x]).wait()

        pltpu.async_copy(tab_hbm.at[src_v.at[0]], b0, gs0)
        pltpu.async_copy(tab_hbm.at[src_v.at[1]], b1, gs1)

        def body(i, carry):
            for j in range(4):
                t = 4 * i + j
                x = j
                xp = (j + 2) % 4
                if j < 2:
                    @pl.when(i > 0)
                    def _():
                        wait_scatter(xp, t - 2)
                else:
                    wait_scatter(xp, t - 2)
                u = jnp.minimum(t + 2, cpt - 1)
                pltpu.async_copy(tab_hbm.at[src_v.at[u]], bufs[xp], gsem[xp])
                wait_gather(x, t)
                pltpu.async_copy(bufs[x], acc_sh.at[dst_v.at[t]], ssem[x],
                                 add=True)
            return carry

        lax.fori_loop(0, cpt // 4, body, 0)

        t0 = cpt - 3
        for t in (t0, t0 + 1, t0 + 2):
            x = t % 4
            xp = (t + 2) % 4
            wait_scatter(xp, t - 2)
            if t + 2 <= cpt - 1:
                pltpu.async_copy(tab_hbm.at[src_v.at[t + 2]], bufs[xp],
                                 gsem[xp])
            wait_gather(x, t)
            pltpu.async_copy(bufs[x], acc_sh.at[dst_v.at[t]], ssem[x],
                             add=True)
        wait_scatter((t0 + 1) % 4, t0 + 1)
        wait_scatter((t0 + 2) % 4, t0 + 2)

        plsc.subcore_barrier()

        @pl.when(sid == 0)
        def _():
            pltpu.sync_copy(acc_sh, out_hbm.at[cid])

    return k(table, src3, dst3, zeros)


def _tc_first(x, W1, degp):
    n, in_ch = x.shape
    d_out = W1.shape[1]
    grid = (n // ROW_BLK,)

    def body(x_ref, w_ref, dp_ref, h_ref, g_ref, dis_ref):
        deg = dp_ref[0][:, 0:1] + dp_ref[1][:, 0:1] + 1.0
        dis = lax.rsqrt(deg)
        h = jnp.dot(x_ref[...], w_ref[...], preferred_element_type=jnp.float32)
        h_ref[...] = h
        g_ref[...] = dis * h
        dis_ref[...] = dis

    return pl.pallas_call(
        body,
        grid=grid,
        in_specs=[
            pl.BlockSpec((ROW_BLK, in_ch), lambda i: (i, 0)),
            pl.BlockSpec((in_ch, d_out), lambda i: (0, 0)),
            pl.BlockSpec((NC, ROW_BLK, DEG_W), lambda i: (0, i, 0)),
        ],
        out_specs=[
            pl.BlockSpec((ROW_BLK, d_out), lambda i: (i, 0)),
            pl.BlockSpec((ROW_BLK, d_out), lambda i: (i, 0)),
            pl.BlockSpec((ROW_BLK, 1), lambda i: (i, 0)),
        ],
        out_shape=[
            jax.ShapeDtypeStruct((n, d_out), jnp.float32),
            jax.ShapeDtypeStruct((n, d_out), jnp.float32),
            jax.ShapeDtypeStruct((n, 1), jnp.float32),
        ],
    )(x, W1, degp)


def _tc_mid(p, h1, dis, b1, W2):
    n, d1 = h1.shape
    d2 = W2.shape[1]
    grid = (n // ROW_BLK,)

    def body(p_ref, h_ref, dis_ref, b_ref, w_ref, h2_ref, g2_ref):
        dis = dis_ref[...]
        s = dis * (p_ref[0] + p_ref[1]) + (dis * dis) * h_ref[...] + b_ref[...]
        r = jnp.maximum(s, 0.0)
        h2 = jnp.dot(r, w_ref[...], preferred_element_type=jnp.float32)
        h2_ref[...] = h2
        g2_ref[...] = dis * h2

    return pl.pallas_call(
        body,
        grid=grid,
        in_specs=[
            pl.BlockSpec((NC, ROW_BLK, d1), lambda i: (0, i, 0)),
            pl.BlockSpec((ROW_BLK, d1), lambda i: (i, 0)),
            pl.BlockSpec((ROW_BLK, 1), lambda i: (i, 0)),
            pl.BlockSpec((1, d1), lambda i: (0, 0)),
            pl.BlockSpec((d1, d2), lambda i: (0, 0)),
        ],
        out_specs=[
            pl.BlockSpec((ROW_BLK, d2), lambda i: (i, 0)),
            pl.BlockSpec((ROW_BLK, d2), lambda i: (i, 0)),
        ],
        out_shape=[
            jax.ShapeDtypeStruct((n, d2), jnp.float32),
            jax.ShapeDtypeStruct((n, d2), jnp.float32),
        ],
    )(p, h1, dis, b1, W2)


def _tc_last(q, h2, dis, b2):
    n, d2 = h2.shape
    grid = (n // ROW_BLK,)

    def body(q_ref, h_ref, dis_ref, b_ref, o_ref):
        dis = dis_ref[...]
        o_ref[...] = (dis * (q_ref[0] + q_ref[1])
                      + (dis * dis) * h_ref[...] + b_ref[...])

    return pl.pallas_call(
        body,
        grid=grid,
        in_specs=[
            pl.BlockSpec((NC, ROW_BLK, d2), lambda i: (0, i, 0)),
            pl.BlockSpec((ROW_BLK, d2), lambda i: (i, 0)),
            pl.BlockSpec((ROW_BLK, 1), lambda i: (i, 0)),
            pl.BlockSpec((1, d2), lambda i: (0, 0)),
        ],
        out_specs=pl.BlockSpec((ROW_BLK, d2), lambda i: (i, 0)),
        out_shape=jax.ShapeDtypeStruct((n, d2), jnp.float32),
    )(q, h2, dis, b2)


def kernel(x, edge_index, W1, b1, W2, b2):
    n = x.shape[0]
    e = edge_index.shape[1]
    ei = edge_index.astype(jnp.int32)
    src, dst = ei[0], ei[1]

    epw = -(-e // NW)
    epw = -(-epw // K) * K
    e_pad = epw * NW
    pad = e_pad - e
    src_p = jnp.concatenate([src, jnp.zeros((pad,), jnp.int32)])
    trash = n + (jnp.arange(pad, dtype=jnp.int32) % (N_PAD - N_NODES))
    dst_p = jnp.concatenate([dst, trash])
    src3 = src_p.reshape(NW, epw // K, K)
    dst3 = dst_p.reshape(NW, epw // K, K)

    ones = jnp.ones((K, DEG_W), jnp.float32)
    degp = _sc_degree(dst3, ones, jnp.zeros((N_PAD, DEG_W), jnp.float32))

    h1, g1, dis = _tc_first(x, W1, degp)
    d1 = W1.shape[1]
    p1 = _sc_gather_scatter(g1, src3, dst3,
                            jnp.zeros((N_PAD, d1), jnp.float32), d1)
    h2, g2 = _tc_mid(p1, h1, dis, b1.reshape(1, -1), W2)
    d2 = W2.shape[1]
    q = _sc_gather_scatter(g2, src3, dst3,
                           jnp.zeros((N_PAD, d2), jnp.float32), d2)
    return _tc_last(q, h2, dis, b2.reshape(1, -1))

# --- scband reference (transcript-rebuilt; emitter-appended) ---
"""Pipeline reference for scband-cheby-net-38070590112102 (READ-ONLY COPY).

The authoritative reference and input builder live on the scoring server;
editing this copy changes nothing except your own understanding.
"""

import jax, jax.numpy as jnp
import numpy as np

N_NODES = 10000
IN_CH = 128
Z_DIM = 32
N_EDGES = 320000


def gcn_conv(x, edge_index, W, b):
    num_nodes = x.shape[0]
    src = edge_index[0]
    dst = edge_index[1]
    # add self loops (GCNConv default add_self_loops=True)
    loop = jnp.arange(num_nodes, dtype=edge_index.dtype)
    src = jnp.concatenate([src, loop])
    dst = jnp.concatenate([dst, loop])
    # symmetric normalization: deg computed on dst with unit edge weights
    deg = jnp.zeros((num_nodes,), dtype=x.dtype).at[dst].add(1.0)
    deg_inv_sqrt = jnp.where(deg > 0, deg ** -0.5, 0.0)
    norm = deg_inv_sqrt[src] * deg_inv_sqrt[dst]
    h = x @ W
    msgs = norm[:, None] * jnp.take(h, src, axis=0)
    out = jnp.zeros((num_nodes, W.shape[1]), dtype=x.dtype).at[dst].add(msgs)
    return out + b


def setup_inputs(seed: int = 0) -> dict:
    key = jax.random.key(seed)
    k_x, k_e, k_w1, k_b1, k_w2, k_b2 = jax.random.split(key, 6)
    x = jax.random.normal(k_x, (N_NODES, IN_CH), dtype=jnp.float32)
    edge_index = jax.random.randint(k_e, (2, N_EDGES), 0, N_NODES, dtype=jnp.int64)
    # glorot-style init for GCN weights, zeros for bias (PyG defaults)
    s1 = float(np.sqrt(6.0 / (IN_CH + 2 * Z_DIM)))
    W1 = jax.random.uniform(k_w1, (IN_CH, 2 * Z_DIM), dtype=jnp.float32, minval=-s1, maxval=s1)
    b1 = jnp.zeros((2 * Z_DIM,), dtype=jnp.float32)
    s2 = float(np.sqrt(6.0 / (2 * Z_DIM + Z_DIM)))
    W2 = jax.random.uniform(k_w2, (2 * Z_DIM, Z_DIM), dtype=jnp.float32, minval=-s2, maxval=s2)
    b2 = jnp.zeros((Z_DIM,), dtype=jnp.float32)
    return {"x": x, "edge_index": edge_index, "W1": W1, "b1": b1, "W2": W2, "b2": b2}


def reference(x, edge_index, W1, b1, W2, b2):
    h = gcn_conv(x, edge_index, W1, b1)
    h = jax.nn.relu(h)
    out = gcn_conv(h, edge_index, W2, b2)
    return out

if __name__ == "__main__":
    import jax
    _d = setup_inputs()
    print(jax.jit(kernel)(*tuple(_d.values())))

</pallas_src>

<mosaic_0001>
#map = affine_map<(d0, d1) -> (0, 0, 0)>
#map1 = affine_map<(d0, d1) -> (0, 0)>
module attributes {stable_mosaic.version = 14 : i64} {
  func.func @k(%arg0: i32, %arg1: i32, %arg2: memref<32x79x128xi32, #tpu.memory_space<hbm>>, %arg3: memref<128x16xf32, #tpu.memory_space<hbm>>, %arg4: memref<10016x16xf32, #tpu.memory_space<hbm>>, %arg5: memref<2x10016x16xf32, #tpu.memory_space<hbm>>, %arg6: memref<79x128xi32, #tpu.memory_space<vmem>>, %arg7: memref<128x16xf32, #tpu.memory_space<vmem>>, %arg8: memref<10016x16xf32, #tpu.memory_space<vmem_shared>>) attributes {dimension_semantics = [#tpu.dimension_semantics<core_parallel>, #tpu.dimension_semantics<subcore_parallel>], iteration_bounds = array<i64: 2, 16>, scalar_prefetch = 0 : i64, scratch_operands = 3 : i64, tpu.core_type = #tpu.core_type<sc_vector_subcore>, window_params = [{transform_indices = #map}, {transform_indices = #map1}, {transform_indices = #map1}, {transform_indices = #map}]} {
    %mul3A = arith.constant 16 : i32
    %mul3A_0 = arith.muli %arg0, %mul3A : i32
    %add3A = arith.addi %mul3A_0, %arg1 : i32
    "tpu.region"() ({
      %run_scoped3A = tpu.sem_alloc : memref<!tpu.dma_semaphore, #tpu.memory_space<semaphore_mem>>
      %dma_start3A = arith.constant 0 : i32
      %dma_start3A_14 = arith.constant 0 : i32
      %dma_start3A_15 = tpu.memref_slice %arg2[%add3A, %dma_start3A, %dma_start3A_14] : memref<32x79x128xi32, #tpu.memory_space<hbm>> -> memref<1x79x128xi32, #tpu.memory_space<hbm>>
      %dma_start3A_16 = tpu.memref_squeeze %dma_start3A_15 : memref<1x79x128xi32, #tpu.memory_space<hbm>> -> memref<79x128xi32, #tpu.memory_space<hbm>>
      %dma_start3A_17 = arith.constant 0 : i32
      %dma_start3A_18 = arith.constant 0 : i32
      %dma_start3A_19 = tpu.memref_slice %arg2[%add3A, %dma_start3A_17, %dma_start3A_18] : memref<32x79x128xi32, #tpu.memory_space<hbm>> -> memref<1x79x128xi32, #tpu.memory_space<hbm>>
      %dma_start3A_20 = tpu.memref_squeeze %dma_start3A_19 : memref<1x79x128xi32, #tpu.memory_space<hbm>> -> memref<79x128xi32, #tpu.memory_space<hbm>>
      tpu.enqueue_dma source(%dma_start3A_20 : memref<79x128xi32, #tpu.memory_space<hbm>>) target(%arg6 : memref<79x128xi32, #tpu.memory_space<vmem>>) target_semaphore(%run_scoped3A : memref<!tpu.dma_semaphore, #tpu.memory_space<semaphore_mem>>)
      %dma_wait3A = arith.constant 0 : i32
      %dma_wait3A_21 = arith.constant 0 : i32
      %dma_wait3A_22 = tpu.memref_slice %arg2[%add3A, %dma_wait3A, %dma_wait3A_21] : memref<32x79x128xi32, #tpu.memory_space<hbm>> -> memref<1x79x128xi32, #tpu.memory_space<hbm>>
      %dma_wait3A_23 = tpu.memref_squeeze %dma_wait3A_22 : memref<1x79x128xi32, #tpu.memory_space<hbm>> -> memref<79x128xi32, #tpu.memory_space<hbm>>
      %dma_wait3A_24 = arith.constant 0 : i32
      %dma_wait3A_25 = arith.constant 0 : i32
      %dma_wait3A_26 = tpu.memref_slice %arg2[%add3A, %dma_wait3A_24, %dma_wait3A_25] : memref<32x79x128xi32, #tpu.memory_space<hbm>> -> memref<1x79x128xi32, #tpu.memory_space<hbm>>
      %dma_wait3A_27 = tpu.memref_squeeze %dma_wait3A_26 : memref<1x79x128xi32, #tpu.memory_space<hbm>> -> memref<79x128xi32, #tpu.memory_space<hbm>>
      tpu.wait_dma2 semaphore(%run_scoped3A : memref<!tpu.dma_semaphore, #tpu.memory_space<semaphore_mem>>) src(%dma_wait3A_27 : memref<79x128xi32, #tpu.memory_space<hbm>>) dst(%arg6 : memref<79x128xi32, #tpu.memory_space<vmem>>)
      tpu.yield
    }) : () -> ()
    "tpu.region"() ({
      %run_scoped3A = tpu.sem_alloc : memref<!tpu.dma_semaphore, #tpu.memory_space<semaphore_mem>>
      tpu.enqueue_dma source(%arg3 : memref<128x16xf32, #tpu.memory_space<hbm>>) target(%arg7 : memref<128x16xf32, #tpu.memory_space<vmem>>) target_semaphore(%run_scoped3A : memref<!tpu.dma_semaphore, #tpu.memory_space<semaphore_mem>>)
      tpu.wait_dma2 semaphore(%run_scoped3A : memref<!tpu.dma_semaphore, #tpu.memory_space<semaphore_mem>>) src(%arg3 : memref<128x16xf32, #tpu.memory_space<hbm>>) dst(%arg7 : memref<128x16xf32, #tpu.memory_space<vmem>>)
      tpu.yield
    }) : () -> ()
    %eq3A = arith.constant 0 : i32
    %eq3A_1 = arith.cmpi eq, %arg1, %eq3A : i32
    %convert_element_type3A = arith.extui %eq3A_1 : i1 to i32
    %cond3A = arith.constant 0 : i32
    %cond3A_2 = arith.cmpi ne, %convert_element_type3A, %cond3A : i32
    scf.if %cond3A_2 {
      "tpu.region"() ({
        %run_scoped3A = tpu.sem_alloc : memref<!tpu.dma_semaphore, #tpu.memory_space<semaphore_mem>>
        tpu.enqueue_dma source(%arg4 : memref<10016x16xf32, #tpu.memory_space<hbm>>) target(%arg8 : memref<10016x16xf32, #tpu.memory_space<vmem_shared>>) target_semaphore(%run_scoped3A : memref<!tpu.dma_semaphore, #tpu.memory_space<semaphore_mem>>)
        tpu.wait_dma2 semaphore(%run_scoped3A : memref<!tpu.dma_semaphore, #tpu.memory_space<semaphore_mem>>) src(%arg4 : memref<10016x16xf32, #tpu.memory_space<hbm>>) dst(%arg8 : memref<10016x16xf32, #tpu.memory_space<vmem_shared>>)
        tpu.yield
      }) : () -> ()
    } else {
    }
    %barrier3A = arith.constant 0 : index
    tpu.barrier barrier_id(%barrier3A)
    %scan3A = arith.constant 0 : i32
    %scan3A_3 = arith.constant 0 : i32
    %scan3A_4 = arith.constant 79 : i32
    %scan3A_5 = arith.addi %scan3A_3, %scan3A_4 : i32
    %scan3A_6 = arith.constant 1 : i32
    scf.for %scan3A_14 = %scan3A_3 to %scan3A_5 step %scan3A_6  : i32 {
      "tpu.region"() ({
        %run_scoped3A = tpu.sem_alloc : memref<!tpu.dma_semaphore, #tpu.memory_space<semaphore_mem>>
        %dma_start3A = arith.constant 0 : i32
        %dma_start3A_15 = tpu.memref_slice %arg6[%scan3A_14, %dma_start3A] : memref<79x128xi32, #tpu.memory_space<vmem>> -> memref<1x128xi32, #tpu.memory_space<vmem>>
        %dma_start3A_16 = tpu.memref_squeeze %dma_start3A_15 : memref<1x128xi32, #tpu.memory_space<vmem>> -> memref<128xi32, #tpu.memory_space<vmem>>
        %dma_start3A_17 = arith.constant 0 : i32
        %dma_start3A_18 = arith.constant 0 : i32
        %dma_start3A_19 = tpu.memref_slice %arg8[%dma_start3A_17, %dma_start3A_18] : memref<10016x16xf32, #tpu.memory_space<vmem_shared>> -> memref<10016x16xf32, #tpu.memory_space<vmem_shared>>
        tpu.enqueue_indirect_dma source(%arg7 : memref<128x16xf32, #tpu.memory_space<vmem>>) target(%dma_start3A_19 : memref<10016x16xf32, #tpu.memory_space<vmem_shared>>) offsets(%dma_start3A_16 : memref<128xi32, #tpu.memory_space<vmem>>) semaphore(%run_scoped3A : memref<!tpu.dma_semaphore, #tpu.memory_space<semaphore_mem>>) {add = true}
        %dma_wait3A = arith.constant 0 : i32
        %dma_wait3A_20 = tpu.memref_slice %arg6[%scan3A_14, %dma_wait3A] : memref<79x128xi32, #tpu.memory_space<vmem>> -> memref<1x128xi32, #tpu.memory_space<vmem>>
        %dma_wait3A_21 = tpu.memref_squeeze %dma_wait3A_20 : memref<1x128xi32, #tpu.memory_space<vmem>> -> memref<128xi32, #tpu.memory_space<vmem>>
        %dma_wait3A_22 = arith.constant 0 : i32
        %dma_wait3A_23 = arith.constant 0 : i32
        %dma_wait3A_24 = tpu.memref_slice %arg8[%dma_wait3A_22, %dma_wait3A_23] : memref<10016x16xf32, #tpu.memory_space<vmem_shared>> -> memref<10016x16xf32, #tpu.memory_space<vmem_shared>>
        tpu.wait_indirect_dma semaphore(%run_scoped3A : memref<!tpu.dma_semaphore, #tpu.memory_space<semaphore_mem>>) src(%arg7 : memref<128x16xf32, #tpu.memory_space<vmem>>) dst(%dma_wait3A_24 : memref<10016x16xf32, #tpu.memory_space<vmem_shared>>)
        tpu.yield
      }) : () -> ()
    }
    %scan3A_7 = arith.constant 79 : i32
    %barrier3A_8 = arith.constant 0 : index
    tpu.barrier barrier_id(%barrier3A_8)
    %eq3A_9 = arith.constant 0 : i32
    %eq3A_10 = arith.cmpi eq, %arg1, %eq3A_9 : i32
    %convert_element_type3A_11 = arith.extui %eq3A_10 : i1 to i32
    %cond3A_12 = arith.constant 0 : i32
    %cond3A_13 = arith.cmpi ne, %convert_element_type3A_11, %cond3A_12 : i32
    scf.if %cond3A_13 {
      "tpu.region"() ({
        %run_scoped3A = tpu.sem_alloc : memref<!tpu.dma_semaphore, #tpu.memory_space<semaphore_mem>>
        %dma_start3A = arith.constant 0 : i32
        %dma_start3A_14 = arith.constant 0 : i32
        %dma_start3A_15 = tpu.memref_slice %arg5[%arg0, %dma_start3A, %dma_start3A_14] : memref<2x10016x16xf32, #tpu.memory_space<hbm>> -> memref<1x10016x16xf32, #tpu.memory_space<hbm>>
        %dma_start3A_16 = tpu.memref_squeeze %dma_start3A_15 : memref<1x10016x16xf32, #tpu.memory_space<hbm>> -> memref<10016x16xf32, #tpu.memory_space<hbm>>
        tpu.enqueue_dma source(%arg8 : memref<10016x16xf32, #tpu.memory_space<vmem_shared>>) target(%dma_start3A_16 : memref<10016x16xf32, #tpu.memory_space<hbm>>) target_semaphore(%run_scoped3A : memref<!tpu.dma_semaphore, #tpu.memory_space<semaphore_mem>>)
        %dma_wait3A = arith.constant 0 : i32
        %dma_wait3A_17 = arith.constant 0 : i32
        %dma_wait3A_18 = tpu.memref_slice %arg5[%arg0, %dma_wait3A, %dma_wait3A_17] : memref<2x10016x16xf32, #tpu.memory_space<hbm>> -> memref<1x10016x16xf32, #tpu.memory_space<hbm>>
        %dma_wait3A_19 = tpu.memref_squeeze %dma_wait3A_18 : memref<1x10016x16xf32, #tpu.memory_space<hbm>> -> memref<10016x16xf32, #tpu.memory_space<hbm>>
        tpu.wait_dma2 semaphore(%run_scoped3A : memref<!tpu.dma_semaphore, #tpu.memory_space<semaphore_mem>>) src(%arg8 : memref<10016x16xf32, #tpu.memory_space<vmem_shared>>) dst(%dma_wait3A_19 : memref<10016x16xf32, #tpu.memory_space<hbm>>)
        tpu.yield
      }) : () -> ()
    } else {
    }
    return
  }
}

#map = affine_map<(d0, d1) -> (0, 0)>
#map1 = affine_map<(d0, d1) -> (0, 0, 0)>
module attributes {stable_mosaic.version = 14 : i64} {
  func.func @k(%arg0: i32, %arg1: i32, %arg2: memref<10000x32xf32, #tpu.memory_space<hbm>>, %arg3: memref<32x79x128xi32, #tpu.memory_space<hbm>>, %arg4: memref<32x79x128xi32, #tpu.memory_space<hbm>>, %arg5: memref<10016x32xf32, #tpu.memory_space<hbm>>, %arg6: memref<2x10016x32xf32, #tpu.memory_space<hbm>>, %arg7: memref<79x128xi32, #tpu.memory_space<vmem>>, %arg8: memref<79x128xi32, #tpu.memory_space<vmem>>, %arg9: memref<128x32xf32, #tpu.memory_space<vmem>>, %arg10: memref<128x32xf32, #tpu.memory_space<vmem>>, %arg11: memref<128x32xf32, #tpu.memory_space<vmem>>, %arg12: memref<128x32xf32, #tpu.memory_space<vmem>>, %arg13: memref<10016x32xf32, #tpu.memory_space<vmem_shared>>, %arg14: memref<!tpu.dma_semaphore, #tpu.memory_space<semaphore_mem>>, %arg15: memref<!tpu.dma_semaphore, #tpu.memory_space<semaphore_mem>>, %arg16: memref<!tpu.dma_semaphore, #tpu.memory_space<semaphore_mem>>, %arg17: memref<!tpu.dma_semaphore, #tpu.memory_space<semaphore_mem>>, %arg18: memref<!tpu.dma_semaphore, #tpu.memory_space<semaphore_mem>>, %arg19: memref<!tpu.dma_semaphore, #tpu.memory_space<semaphore_mem>>, %arg20: memref<!tpu.dma_semaphore, #tpu.memory_space<semaphore_mem>>, %arg21: memref<!tpu.dma_semaphore, #tpu.memory_space<semaphore_mem>>) attributes {dimension_semantics = [#tpu.dimension_semantics<core_parallel>, #tpu.dimension_semantics<subcore_parallel>], iteration_bounds = array<i64: 2, 16>, scalar_prefetch = 0 : i64, scratch_operands = 15 : i64, tpu.core_type = #tpu.core_type<sc_vector_subcore>, window_params = [{transform_indices = #map}, {transform_indices = #map1}, {transform_indices = #map1}, {transform_indices = #map}, {transform_indices = #map1}]} {
    %mul3A = arith.constant 16 : i32
    %mul3A_0 = arith.muli %arg0, %mul3A : i32
    %add3A = arith.addi %mul3A_0, %arg1 : i32
    "tpu.region"() ({
      %run_scoped3A = tpu.sem_alloc : memref<!tpu.dma_semaphore, #tpu.memory_space<semaphore_mem>>
      %dma_start3A_110 = arith.constant 0 : i32
      %dma_start3A_111 = arith.constant 0 : i32
      %dma_start3A_112 = tpu.memref_slice %arg3[%add3A, %dma_start3A_110, %dma_start3A_111] : memref<32x79x128xi32, #tpu.memory_space<hbm>> -> memref<1x79x128xi32, #tpu.memory_space<hbm>>
      %dma_start3A_113 = tpu.memref_squeeze %dma_start3A_112 : memref<1x79x128xi32, #tpu.memory_space<hbm>> -> memref<79x128xi32, #tpu.memory_space<hbm>>
      %dma_start3A_114 = arith.constant 0 : i32
      %dma_start3A_115 = arith.constant 0 : i32
      %dma_start3A_116 = tpu.memref_slice %arg3[%add3A, %dma_start3A_114, %dma_start3A_115] : memref<32x79x128xi32, #tpu.memory_space<hbm>> -> memref<1x79x128xi32, #tpu.memory_space<hbm>>
      %dma_start3A_117 = tpu.memref_squeeze %dma_start3A_116 : memref<1x79x128xi32, #tpu.memory_space<hbm>> -> memref<79x128xi32, #tpu.memory_space<hbm>>
      tpu.enqueue_dma source(%dma_start3A_117 : memref<79x128xi32, #tpu.memory_space<hbm>>) target(%arg7 : memref<79x128xi32, #tpu.memory_space<vmem>>) target_semaphore(%run_scoped3A : memref<!tpu.dma_semaphore, #tpu.memory_space<semaphore_mem>>)
      %dma_wait3A_118 = arith.constant 0 : i32
      %dma_wait3A_119 = arith.constant 0 : i32
      %dma_wait3A_120 = tpu.memref_slice %arg3[%add3A, %dma_wait3A_118, %dma_wait3A_119] : memref<32x79x128xi32, #tpu.memory_space<hbm>> -> memref<1x79x128xi32, #tpu.memory_space<hbm>>
      %dma_wait3A_121 = tpu.memref_squeeze %dma_wait3A_120 : memref<1x79x128xi32, #tpu.memory_space<hbm>> -> memref<79x128xi32, #tpu.memory_space<hbm>>
      %dma_wait3A_122 = arith.constant 0 : i32
      %dma_wait3A_123 = arith.constant 0 : i32
      %dma_wait3A_124 = tpu.memref_slice %arg3[%add3A, %dma_wait3A_122, %dma_wait3A_123] : memref<32x79x128xi32, #tpu.memory_space<hbm>> -> memref<1x79x128xi32, #tpu.memory_space<hbm>>
      %dma_wait3A_125 = tpu.memref_squeeze %dma_wait3A_124 : memref<1x79x128xi32, #tpu.memory_space<hbm>> -> memref<79x128xi32, #tpu.memory_space<hbm>>
      tpu.wait_dma2 semaphore(%run_scoped3A : memref<!tpu.dma_semaphore, #tpu.memory_space<semaphore_mem>>) src(%dma_wait3A_125 : memref<79x128xi32, #tpu.memory_space<hbm>>) dst(%arg7 : memref<79x128xi32, #tpu.memory_space<vmem>>)
      tpu.yield
    }) : () -> ()
    "tpu.region"() ({
      %run_scoped3A = tpu.sem_alloc : memref<!tpu.dma_semaphore, #tpu.memory_space<semaphore_mem>>
      %dma_start3A_110 = arith.constant 0 : i32
      %dma_start3A_111 = arith.constant 0 : i32
      %dma_start3A_112 = tpu.memref_slice %arg4[%add3A, %dma_start3A_110, %dma_start3A_111] : memref<32x79x128xi32, #tpu.memory_space<hbm>> -> memref<1x79x128xi32, #tpu.memory_space<hbm>>
      %dma_start3A_113 = tpu.memref_squeeze %dma_start3A_112 : memref<1x79x128xi32, #tpu.memory_space<hbm>> -> memref<79x128xi32, #tpu.memory_space<hbm>>
      %dma_start3A_114 = arith.constant 0 : i32
      %dma_start3A_115 = arith.constant 0 : i32
      %dma_start3A_116 = tpu.memref_slice %arg4[%add3A, %dma_start3A_114, %dma_start3A_115] : memref<32x79x128xi32, #tpu.memory_space<hbm>> -> memref<1x79x128xi32, #tpu.memory_space<hbm>>
      %dma_start3A_117 = tpu.memref_squeeze %dma_start3A_116 : memref<1x79x128xi32, #tpu.memory_space<hbm>> -> memref<79x128xi32, #tpu.memory_space<hbm>>
      tpu.enqueue_dma source(%dma_start3A_117 : memref<79x128xi32, #tpu.memory_space<hbm>>) target(%arg8 : memref<79x128xi32, #tpu.memory_space<vmem>>) target_semaphore(%run_scoped3A : memref<!tpu.dma_semaphore, #tpu.memory_space<semaphore_mem>>)
      %dma_wait3A_118 = arith.constant 0 : i32
      %dma_wait3A_119 = arith.constant 0 : i32
      %dma_wait3A_120 = tpu.memref_slice %arg4[%add3A, %dma_wait3A_118, %dma_wait3A_119] : memref<32x79x128xi32, #tpu.memory_space<hbm>> -> memref<1x79x128xi32, #tpu.memory_space<hbm>>
      %dma_wait3A_121 = tpu.memref_squeeze %dma_wait3A_120 : memref<1x79x128xi32, #tpu.memory_space<hbm>> -> memref<79x128xi32, #tpu.memory_space<hbm>>
      %dma_wait3A_122 = arith.constant 0 : i32
      %dma_wait3A_123 = arith.constant 0 : i32
      %dma_wait3A_124 = tpu.memref_slice %arg4[%add3A, %dma_wait3A_122, %dma_wait3A_123] : memref<32x79x128xi32, #tpu.memory_space<hbm>> -> memref<1x79x128xi32, #tpu.memory_space<hbm>>
      %dma_wait3A_125 = tpu.memref_squeeze %dma_wait3A_124 : memref<1x79x128xi32, #tpu.memory_space<hbm>> -> memref<79x128xi32, #tpu.memory_space<hbm>>
      tpu.wait_dma2 semaphore(%run_scoped3A : memref<!tpu.dma_semaphore, #tpu.memory_space<semaphore_mem>>) src(%dma_wait3A_125 : memref<79x128xi32, #tpu.memory_space<hbm>>) dst(%arg8 : memref<79x128xi32, #tpu.memory_space<vmem>>)
      tpu.yield
    }) : () -> ()
    %eq3A = arith.constant 0 : i32
    %eq3A_1 = arith.cmpi eq, %arg1, %eq3A : i32
    %convert_element_type3A = arith.extui %eq3A_1 : i1 to i32
    %cond3A = arith.constant 0 : i32
    %cond3A_2 = arith.cmpi ne, %convert_element_type3A, %cond3A : i32
    scf.if %cond3A_2 {
      "tpu.region"() ({
        %run_scoped3A = tpu.sem_alloc : memref<!tpu.dma_semaphore, #tpu.memory_space<semaphore_mem>>
        tpu.enqueue_dma source(%arg5 : memref<10016x32xf32, #tpu.memory_space<hbm>>) target(%arg13 : memref<10016x32xf32, #tpu.memory_space<vmem_shared>>) target_semaphore(%run_scoped3A : memref<!tpu.dma_semaphore, #tpu.memory_space<semaphore_mem>>)
        tpu.wait_dma2 semaphore(%run_scoped3A : memref<!tpu.dma_semaphore, #tpu.memory_space<semaphore_mem>>) src(%arg5 : memref<10016x32xf32, #tpu.memory_space<hbm>>) dst(%arg13 : memref<10016x32xf32, #tpu.memory_space<vmem_shared>>)
        tpu.yield
      }) : () -> ()
    } else {
    }
    %barrier3A = arith.constant 0 : index
    tpu.barrier barrier_id(%barrier3A)
    %dma_start3A = arith.constant 0 : i32
    %dma_start3A_3 = arith.constant 0 : i32
    %dma_start3A_4 = tpu.memref_slice %arg7[%dma_start3A, %dma_start3A_3] : memref<79x128xi32, #tpu.memory_space<vmem>> -> memref<1x128xi32, #tpu.memory_space<vmem>>
    %dma_start3A_5 = tpu.memref_squeeze %dma_start3A_4 : memref<1x128xi32, #tpu.memory_space<vmem>> -> memref<128xi32, #tpu.memory_space<vmem>>
    %dma_start3A_6 = arith.constant 0 : i32
    %dma_start3A_7 = arith.constant 0 : i32
    %dma_start3A_8 = tpu.memref_slice %arg2[%dma_start3A_6, %dma_start3A_7] : memref<10000x32xf32, #tpu.memory_space<hbm>> -> memref<10000x32xf32, #tpu.memory_space<hbm>>
    tpu.enqueue_indirect_dma source(%dma_start3A_8 : memref<10000x32xf32, #tpu.memory_space<hbm>>) target(%arg9 : memref<128x32xf32, #tpu.memory_space<vmem>>) offsets(%dma_start3A_5 : memref<128xi32, #tpu.memory_space<vmem>>) semaphore(%arg14 : memref<!tpu.dma_semaphore, #tpu.memory_space<semaphore_mem>>)
    %dma_start3A_9 = arith.constant 1 : i32
    %dma_start3A_10 = arith.constant 0 : i32
    %dma_start3A_11 = tpu.memref_slice %arg7[%dma_start3A_9, %dma_start3A_10] : memref<79x128xi32, #tpu.memory_space<vmem>> -> memref<1x128xi32, #tpu.memory_space<vmem>>
    %dma_start3A_12 = tpu.memref_squeeze %dma_start3A_11 : memref<1x128xi32, #tpu.memory_space<vmem>> -> memref<128xi32, #tpu.memory_space<vmem>>
    %dma_start3A_13 = arith.constant 0 : i32
    %dma_start3A_14 = arith.constant 0 : i32
    %dma_start3A_15 = tpu.memref_slice %arg2[%dma_start3A_13, %dma_start3A_14] : memref<10000x32xf32, #tpu.memory_space<hbm>> -> memref<10000x32xf32, #tpu.memory_space<hbm>>
    tpu.enqueue_indirect_dma source(%dma_start3A_15 : memref<10000x32xf32, #tpu.memory_space<hbm>>) target(%arg10 : memref<128x32xf32, #tpu.memory_space<vmem>>) offsets(%dma_start3A_12 : memref<128xi32, #tpu.memory_space<vmem>>) semaphore(%arg15 : memref<!tpu.dma_semaphore, #tpu.memory_space<semaphore_mem>>)
    %scan3A = arith.constant 0 : i32
    %scan3A_16 = arith.constant 0 : i32
    %scan3A_17 = arith.constant 19 : i32
    %scan3A_18 = arith.addi %scan3A_16, %scan3A_17 : i32
    %scan3A_19 = arith.constant 1 : i32
    scf.for %scan3A_110 = %scan3A_16 to %scan3A_18 step %scan3A_19  : i32 {
      %mul3A_111 = arith.constant 4 : i32
      %mul3A_112 = arith.muli %mul3A_111, %scan3A_110 : i32
      %add3A_113 = arith.constant 0 : i32
      %add3A_114 = arith.addi %mul3A_112, %add3A_113 : i32
      %gt3A = arith.constant 0 : i32
      %gt3A_115 = arith.cmpi sgt, %scan3A_110, %gt3A : i32
      %convert_element_type3A_116 = arith.extui %gt3A_115 : i1 to i32
      %cond3A_117 = arith.constant 0 : i32
      %cond3A_118 = arith.cmpi ne, %convert_element_type3A_116, %cond3A_117 : i32
      scf.if %cond3A_118 {
        %sub3A_238 = arith.constant 2 : i32
        %sub3A_239 = arith.subi %add3A_114, %sub3A_238 : i32
        %dma_wait3A_240 = arith.constant 0 : i32
        %dma_wait3A_241 = tpu.memref_slice %arg8[%sub3A_239, %dma_wait3A_240] : memref<79x128xi32, #tpu.memory_space<vmem>> -> memref<1x128xi32, #tpu.memory_space<vmem>>
        %dma_wait3A_242 = tpu.memref_squeeze %dma_wait3A_241 : memref<1x128xi32, #tpu.memory_space<vmem>> -> memref<128xi32, #tpu.memory_space<vmem>>
        %dma_wait3A_243 = arith.constant 0 : i32
        %dma_wait3A_244 = arith.constant 0 : i32
        %dma_wait3A_245 = tpu.memref_slice %arg13[%dma_wait3A_243, %dma_wait3A_244] : memref<10016x32xf32, #tpu.memory_space<vmem_shared>> -> memref<10016x32xf32, #tpu.memory_space<vmem_shared>>
        tpu.wait_indirect_dma semaphore(%arg20 : memref<!tpu.dma_semaphore, #tpu.memory_space<semaphore_mem>>) src(%arg11 : memref<128x32xf32, #tpu.memory_space<vmem>>) dst(%dma_wait3A_245 : memref<10016x32xf32, #tpu.memory_space<vmem_shared>>)
      } else {
      }
      %add3A_119 = arith.constant 2 : i32
      %add3A_120 = arith.addi %add3A_114, %add3A_119 : i32
      %min3A = arith.constant 78 : i32
      %min3A_121 = arith.minsi %add3A_120, %min3A : i32
      %dma_start3A_122 = arith.constant 0 : i32
      %dma_start3A_123 = tpu.memref_slice %arg7[%min3A_121, %dma_start3A_122] : memref<79x128xi32, #tpu.memory_space<vmem>> -> memref<1x128xi32, #tpu.memory_space<vmem>>
      %dma_start3A_124 = tpu.memref_squeeze %dma_start3A_123 : memref<1x128xi32, #tpu.memory_space<vmem>> -> memref<128xi32, #tpu.memory_space<vmem>>
      %dma_start3A_125 = arith.constant 0 : i32
      %dma_start3A_126 = arith.constant 0 : i32
      %dma_start3A_127 = tpu.memref_slice %arg2[%dma_start3A_125, %dma_start3A_126] : memref<10000x32xf32, #tpu.memory_space<hbm>> -> memref<10000x32xf32, #tpu.memory_space<hbm>>
      tpu.enqueue_indirect_dma source(%dma_start3A_127 : memref<10000x32xf32, #tpu.memory_space<hbm>>) target(%arg11 : memref<128x32xf32, #tpu.memory_space<vmem>>) offsets(%dma_start3A_124 : memref<128xi32, #tpu.memory_space<vmem>>) semaphore(%arg16 : memref<!tpu.dma_semaphore, #tpu.memory_space<semaphore_mem>>)
      %dma_wait3A_128 = arith.constant 0 : i32
      %dma_wait3A_129 = tpu.memref_slice %arg7[%add3A_114, %dma_wait3A_128] : memref<79x128xi32, #tpu.memory_space<vmem>> -> memref<1x128xi32, #tpu.memory_space<vmem>>
      %dma_wait3A_130 = tpu.memref_squeeze %dma_wait3A_129 : memref<1x128xi32, #tpu.memory_space<vmem>> -> memref<128xi32, #tpu.memory_space<vmem>>
      %dma_wait3A_131 = arith.constant 0 : i32
      %dma_wait3A_132 = arith.constant 0 : i32
      %dma_wait3A_133 = tpu.memref_slice %arg2[%dma_wait3A_131, %dma_wait3A_132] : memref<10000x32xf32, #tpu.memory_space<hbm>> -> memref<10000x32xf32, #tpu.memory_space<hbm>>
      tpu.wait_indirect_dma semaphore(%arg14 : memref<!tpu.dma_semaphore, #tpu.memory_space<semaphore_mem>>) src(%dma_wait3A_133 : memref<10000x32xf32, #tpu.memory_space<hbm>>) dst(%arg9 : memref<128x32xf32, #tpu.memory_space<vmem>>)
      %dma_start3A_134 = arith.constant 0 : i32
      %dma_start3A_135 = tpu.memref_slice %arg8[%add3A_114, %dma_start3A_134] : memref<79x128xi32, #tpu.memory_space<vmem>> -> memref<1x128xi32, #tpu.memory_space<vmem>>
      %dma_start3A_136 = tpu.memref_squeeze %dma_start3A_135 : memref<1x128xi32, #tpu.memory_space<vmem>> -> memref<128xi32, #tpu.memory_space<vmem>>
      %dma_start3A_137 = arith.constant 0 : i32
      %dma_start3A_138 = arith.constant 0 : i32
      %dma_start3A_139 = tpu.memref_slice %arg13[%dma_start3A_137, %dma_start3A_138] : memref<10016x32xf32, #tpu.memory_space<vmem_shared>> -> memref<10016x32xf32, #tpu.memory_space<vmem_shared>>
      tpu.enqueue_indirect_dma source(%arg9 : memref<128x32xf32, #tpu.memory_space<vmem>>) target(%dma_start3A_139 : memref<10016x32xf32, #tpu.memory_space<vmem_shared>>) offsets(%dma_start3A_136 : memref<128xi32, #tpu.memory_space<vmem>>) semaphore(%arg18 : memref<!tpu.dma_semaphore, #tpu.memory_space<semaphore_mem>>) {add = true}
      %mul3A_140 = arith.constant 4 : i32
      %mul3A_141 = arith.muli %mul3A_140, %scan3A_110 : i32
      %add3A_142 = arith.constant 1 : i32
      %add3A_143 = arith.addi %mul3A_141, %add3A_142 : i32
      %gt3A_144 = arith.constant 0 : i32
      %gt3A_145 = arith.cmpi sgt, %scan3A_110, %gt3A_144 : i32
      %convert_element_type3A_146 = arith.extui %gt3A_145 : i1 to i32
      %cond3A_147 = arith.constant 0 : i32
      %cond3A_148 = arith.cmpi ne, %convert_element_type3A_146, %cond3A_147 : i32
      scf.if %cond3A_148 {
        %sub3A_238 = arith.constant 2 : i32
        %sub3A_239 = arith.subi %add3A_143, %sub3A_238 : i32
        %dma_wait3A_240 = arith.constant 0 : i32
        %dma_wait3A_241 = tpu.memref_slice %arg8[%sub3A_239, %dma_wait3A_240] : memref<79x128xi32, #tpu.memory_space<vmem>> -> memref<1x128xi32, #tpu.memory_space<vmem>>
        %dma_wait3A_242 = tpu.memref_squeeze %dma_wait3A_241 : memref<1x128xi32, #tpu.memory_space<vmem>> -> memref<128xi32, #tpu.memory_space<vmem>>
        %dma_wait3A_243 = arith.constant 0 : i32
        %dma_wait3A_244 = arith.constant 0 : i32
        %dma_wait3A_245 = tpu.memref_slice %arg13[%dma_wait3A_243, %dma_wait3A_244] : memref<10016x32xf32, #tpu.memory_space<vmem_shared>> -> memref<10016x32xf32, #tpu.memory_space<vmem_shared>>
        tpu.wait_indirect_dma semaphore(%arg21 : memref<!tpu.dma_semaphore, #tpu.memory_space<semaphore_mem>>) src(%arg12 : memref<128x32xf32, #tpu.memory_space<vmem>>) dst(%dma_wait3A_245 : memref<10016x32xf32, #tpu.memory_space<vmem_shared>>)
      } else {
      }
      %add3A_149 = arith.constant 2 : i32
      %add3A_150 = arith.addi %add3A_143, %add3A_149 : i32
      %min3A_151 = arith.constant 78 : i32
      %min3A_152 = arith.minsi %add3A_150, %min3A_151 : i32
      %dma_start3A_153 = arith.constant 0 : i32
      %dma_start3A_154 = tpu.memref_slice %arg7[%min3A_152, %dma_start3A_153] : memref<79x128xi32, #tpu.memory_space<vmem>> -> memref<1x128xi32, #tpu.memory_space<vmem>>
      %dma_start3A_155 = tpu.memref_squeeze %dma_start3A_154 : memref<1x128xi32, #tpu.memory_space<vmem>> -> memref<128xi32, #tpu.memory_space<vmem>>
      %dma_start3A_156 = arith.constant 0 : i32
      %dma_start3A_157 = arith.constant 0 : i32
      %dma_start3A_158 = tpu.memref_slice %arg2[%dma_start3A_156, %dma_start3A_157] : memref<10000x32xf32, #tpu.memory_space<hbm>> -> memref<10000x32xf32, #tpu.memory_space<hbm>>
      tpu.enqueue_indirect_dma source(%dma_start3A_158 : memref<10000x32xf32, #tpu.memory_space<hbm>>) target(%arg12 : memref<128x32xf32, #tpu.memory_space<vmem>>) offsets(%dma_start3A_155 : memref<128xi32, #tpu.memory_space<vmem>>) semaphore(%arg17 : memref<!tpu.dma_semaphore, #tpu.memory_space<semaphore_mem>>)
      %dma_wait3A_159 = arith.constant 0 : i32
      %dma_wait3A_160 = tpu.memref_slice %arg7[%add3A_143, %dma_wait3A_159] : memref<79x128xi32, #tpu.memory_space<vmem>> -> memref<1x128xi32, #tpu.memory_space<vmem>>
      %dma_wait3A_161 = tpu.memref_squeeze %dma_wait3A_160 : memref<1x128xi32, #tpu.memory_space<vmem>> -> memref<128xi32, #tpu.memory_space<vmem>>
      %dma_wait3A_162 = arith.constant 0 : i32
      %dma_wait3A_163 = arith.constant 0 : i32
      %dma_wait3A_164 = tpu.memref_slice %arg2[%dma_wait3A_162, %dma_wait3A_163] : memref<10000x32xf32, #tpu.memory_space<hbm>> -> memref<10000x32xf32, #tpu.memory_space<hbm>>
      tpu.wait_indirect_dma semaphore(%arg15 : memref<!tpu.dma_semaphore, #tpu.memory_space<semaphore_mem>>) src(%dma_wait3A_164 : memref<10000x32xf32, #tpu.memory_space<hbm>>) dst(%arg10 : memref<128x32xf32, #tpu.memory_space<vmem>>)
      %dma_start3A_165 = arith.constant 0 : i32
      %dma_start3A_166 = tpu.memref_slice %arg8[%add3A_143, %dma_start3A_165] : memref<79x128xi32, #tpu.memory_space<vmem>> -> memref<1x128xi32, #tpu.memory_space<vmem>>
      %dma_start3A_167 = tpu.memref_squeeze %dma_start3A_166 : memref<1x128xi32, #tpu.memory_space<vmem>> -> memref<128xi32, #tpu.memory_space<vmem>>
      %dma_start3A_168 = arith.constant 0 : i32
      %dma_start3A_169 = arith.constant 0 : i32
      %dma_start3A_170 = tpu.memref_slice %arg13[%dma_start3A_168, %dma_start3A_169] : memref<10016x32xf32, #tpu.memory_space<vmem_shared>> -> memref<10016x32xf32, #tpu.memory_space<vmem_shared>>
      tpu.enqueue_indirect_dma source(%arg10 : memref<128x32xf32, #tpu.memory_space<vmem>>) target(%dma_start3A_170 : memref<10016x32xf32, #tpu.memory_space<vmem_shared>>) offsets(%dma_start3A_167 : memref<128xi32, #tpu.memory_space<vmem>>) semaphore(%arg19 : memref<!tpu.dma_semaphore, #tpu.memory_space<semaphore_mem>>) {add = true}
      %mul3A_171 = arith.constant 4 : i32
      %mul3A_172 = arith.muli %mul3A_171, %scan3A_110 : i32
      %add3A_173 = arith.constant 2 : i32
      %add3A_174 = arith.addi %mul3A_172, %add3A_173 : i32
      %sub3A = arith.constant 2 : i32
      %sub3A_175 = arith.subi %add3A_174, %sub3A : i32
      %dma_wait3A_176 = arith.constant 0 : i32
      %dma_wait3A_177 = tpu.memref_slice %arg8[%sub3A_175, %dma_wait3A_176] : memref<79x128xi32, #tpu.memory_space<vmem>> -> memref<1x128xi32, #tpu.memory_space<vmem>>
      %dma_wait3A_178 = tpu.memref_squeeze %dma_wait3A_177 : memref<1x128xi32, #tpu.memory_space<vmem>> -> memref<128xi32, #tpu.memory_space<vmem>>
      %dma_wait3A_179 = arith.constant 0 : i32
      %dma_wait3A_180 = arith.constant 0 : i32
      %dma_wait3A_181 = tpu.memref_slice %arg13[%dma_wait3A_179, %dma_wait3A_180] : memref<10016x32xf32, #tpu.memory_space<vmem_shared>> -> memref<10016x32xf32, #tpu.memory_space<vmem_shared>>
      tpu.wait_indirect_dma semaphore(%arg18 : memref<!tpu.dma_semaphore, #tpu.memory_space<semaphore_mem>>) src(%arg9 : memref<128x32xf32, #tpu.memory_space<vmem>>) dst(%dma_wait3A_181 : memref<10016x32xf32, #tpu.memory_space<vmem_shared>>)
      %add3A_182 = arith.constant 2 : i32
      %add3A_183 = arith.addi %add3A_174, %add3A_182 : i32
      %min3A_184 = arith.constant 78 : i32
      %min3A_185 = arith.minsi %add3A_183, %min3A_184 : i32
      %dma_start3A_186 = arith.constant 0 : i32
      %dma_start3A_187 = tpu.memref_slice %arg7[%min3A_185, %dma_start3A_186] : memref<79x128xi32, #tpu.memory_space<vmem>> -> memref<1x128xi32, #tpu.memory_space<vmem>>
      %dma_start3A_188 = tpu.memref_squeeze %dma_start3A_187 : memref<1x128xi32, #tpu.memory_space<vmem>> -> memref<128xi32, #tpu.memory_space<vmem>>
      %dma_start3A_189 = arith.constant 0 : i32
      %dma_start3A_190 = arith.constant 0 : i32
      %dma_start3A_191 = tpu.memref_slice %arg2[%dma_start3A_189, %dma_start3A_190] : memref<10000x32xf32, #tpu.memory_space<hbm>> -> memref<10000x32xf32, #tpu.memory_space<hbm>>
      tpu.enqueue_indirect_dma source(%dma_start3A_191 : memref<10000x32xf32, #tpu.memory_space<hbm>>) target(%arg9 : memref<128x32xf32, #tpu.memory_space<vmem>>) offsets(%dma_start3A_188 : memref<128xi32, #tpu.memory_space<vmem>>) semaphore(%arg14 : memref<!tpu.dma_semaphore, #tpu.memory_space<semaphore_mem>>)
      %dma_wait3A_192 = arith.constant 0 : i32
      %dma_wait3A_193 = tpu.memref_slice %arg7[%add3A_174, %dma_wait3A_192] : memref<79x128xi32, #tpu.memory_space<vmem>> -> memref<1x128xi32, #tpu.memory_space<vmem>>
      %dma_wait3A_194 = tpu.memref_squeeze %dma_wait3A_193 : memref<1x128xi32, #tpu.memory_space<vmem>> -> memref<128xi32, #tpu.memory_space<vmem>>
      %dma_wait3A_195 = arith.constant 0 : i32
      %dma_wait3A_196 = arith.constant 0 : i32
      %dma_wait3A_197 = tpu.memref_slice %arg2[%dma_wait3A_195, %dma_wait3A_196] : memref<10000x32xf32, #tpu.memory_space<hbm>> -> memref<10000x32xf32, #tpu.memory_space<hbm>>
      tpu.wait_indirect_dma semaphore(%arg16 : memref<!tpu.dma_semaphore, #tpu.memory_space<semaphore_mem>>) src(%dma_wait3A_197 : memref<10000x32xf32, #tpu.memory_space<hbm>>) dst(%arg11 : memref<128x32xf32, #tpu.memory_space<vmem>>)
      %dma_start3A_198 = arith.constant 0 : i32
      %dma_start3A_199 = tpu.memref_slice %arg8[%add3A_174, %dma_start3A_198] : memref<79x128xi32, #tpu.memory_space<vmem>> -> memref<1x128xi32, #tpu.memory_space<vmem>>
      %dma_start3A_200 = tpu.memref_squeeze %dma_start3A_199 : memref<1x128xi32, #tpu.memory_space<vmem>> -> memref<128xi32, #tpu.memory_space<vmem>>
      %dma_start3A_201 = arith.constant 0 : i32
      %dma_start3A_202 = arith.constant 0 : i32
      %dma_start3A_203 = tpu.memref_slice %arg13[%dma_start3A_201, %dma_start3A_202] : memref<10016x32xf32, #tpu.memory_space<vmem_shared>> -> memref<10016x32xf32, #tpu.memory_space<vmem_shared>>
      tpu.enqueue_indirect_dma source(%arg11 : memref<128x32xf32, #tpu.memory_space<vmem>>) target(%dma_start3A_203 : memref<10016x32xf32, #tpu.memory_space<vmem_shared>>) offsets(%dma_start3A_200 : memref<128xi32, #tpu.memory_space<vmem>>) semaphore(%arg20 : memref<!tpu.dma_semaphore, #tpu.memory_space<semaphore_mem>>) {add = true}
      %mul3A_204 = arith.constant 4 : i32
      %mul3A_205 = arith.muli %mul3A_204, %scan3A_110 : i32
      %add3A_206 = arith.constant 3 : i32
      %add3A_207 = arith.addi %mul3A_205, %add3A_206 : i32
      %sub3A_208 = arith.constant 2 : i32
      %sub3A_209 = arith.subi %add3A_207, %sub3A_208 : i32
      %dma_wait3A_210 = arith.constant 0 : i32
      %dma_wait3A_211 = tpu.memref_slice %arg8[%sub3A_209, %dma_wait3A_210] : memref<79x128xi32, #tpu.memory_space<vmem>> -> memref<1x128xi32, #tpu.memory_space<vmem>>
      %dma_wait3A_212 = tpu.memref_squeeze %dma_wait3A_211 : memref<1x128xi32, #tpu.memory_space<vmem>> -> memref<128xi32, #tpu.memory_space<vmem>>
      %dma_wait3A_213 = arith.constant 0 : i32
      %dma_wait3A_214 = arith.constant 0 : i32
      %dma_wait3A_215 = tpu.memref_slice %arg13[%dma_wait3A_213, %dma_wait3A_214] : memref<10016x32xf32, #tpu.memory_space<vmem_shared>> -> memref<10016x32xf32, #tpu.memory_space<vmem_shared>>
      tpu.wait_indirect_dma semaphore(%arg19 : memref<!tpu.dma_semaphore, #tpu.memory_space<semaphore_mem>>) src(%arg10 : memref<128x32xf32, #tpu.memory_space<vmem>>) dst(%dma_wait3A_215 : memref<10016x32xf32, #tpu.memory_space<vmem_shared>>)
      %add3A_216 = arith.constant 2 : i32
      %add3A_217 = arith.addi %add3A_207, %add3A_216 : i32
      %min3A_218 = arith.constant 78 : i32
      %min3A_219 = arith.minsi %add3A_217, %min3A_218 : i32
      %dma_start3A_220 = arith.constant 0 : i32
      %dma_start3A_221 = tpu.memref_slice %arg7[%min3A_219, %dma_start3A_220] : memref<79x128xi32, #tpu.memory_space<vmem>> -> memref<1x128xi32, #tpu.memory_space<vmem>>
      %dma_start3A_222 = tpu.memref_squeeze %dma_start3A_221 : memref<1x128xi32, #tpu.memory_space<vmem>> -> memref<128xi32, #tpu.memory_space<vmem>>
      %dma_start3A_223 = arith.constant 0 : i32
      %dma_start3A_224 = arith.constant 0 : i32
      %dma_start3A_225 = tpu.memref_slice %arg2[%dma_start3A_223, %dma_start3A_224] : memref<10000x32xf32, #tpu.memory_space<hbm>> -> memref<10000x32xf32, #tpu.memory_space<hbm>>
      tpu.enqueue_indirect_dma source(%dma_start3A_225 : memref<10000x32xf32, #tpu.memory_space<hbm>>) target(%arg10 : memref<128x32xf32, #tpu.memory_space<vmem>>) offsets(%dma_start3A_222 : memref<128xi32, #tpu.memory_space<vmem>>) semaphore(%arg15 : memref<!tpu.dma_semaphore, #tpu.memory_space<semaphore_mem>>)
      %dma_wait3A_226 = arith.constant 0 : i32
      %dma_wait3A_227 = tpu.memref_slice %arg7[%add3A_207, %dma_wait3A_226] : memref<79x128xi32, #tpu.memory_space<vmem>> -> memref<1x128xi32, #tpu.memory_space<vmem>>
      %dma_wait3A_228 = tpu.memref_squeeze %dma_wait3A_227 : memref<1x128xi32, #tpu.memory_space<vmem>> -> memref<128xi32, #tpu.memory_space<vmem>>
      %dma_wait3A_229 = arith.constant 0 : i32
      %dma_wait3A_230 = arith.constant 0 : i32
      %dma_wait3A_231 = tpu.memref_slice %arg2[%dma_wait3A_229, %dma_wait3A_230] : memref<10000x32xf32, #tpu.memory_space<hbm>> -> memref<10000x32xf32, #tpu.memory_space<hbm>>
      tpu.wait_indirect_dma semaphore(%arg17 : memref<!tpu.dma_semaphore, #tpu.memory_space<semaphore_mem>>) src(%dma_wait3A_231 : memref<10000x32xf32, #tpu.memory_space<hbm>>) dst(%arg12 : memref<128x32xf32, #tpu.memory_space<vmem>>)
      %dma_start3A_232 = arith.constant 0 : i32
      %dma_start3A_233 = tpu.memref_slice %arg8[%add3A_207, %dma_start3A_232] : memref<79x128xi32, #tpu.memory_space<vmem>> -> memref<1x128xi32, #tpu.memory_space<vmem>>
      %dma_start3A_234 = tpu.memref_squeeze %dma_start3A_233 : memref<1x128xi32, #tpu.memory_space<vmem>> -> memref<128xi32, #tpu.memory_space<vmem>>
      %dma_start3A_235 = arith.constant 0 : i32
      %dma_start3A_236 = arith.constant 0 : i32
      %dma_start3A_237 = tpu.memref_slice %arg13[%dma_start3A_235, %dma_start3A_236] : memref<10016x32xf32, #tpu.memory_space<vmem_shared>> -> memref<10016x32xf32, #tpu.memory_space<vmem_shared>>
      tpu.enqueue_indirect_dma source(%arg12 : memref<128x32xf32, #tpu.memory_space<vmem>>) target(%dma_start3A_237 : memref<10016x32xf32, #tpu.memory_space<vmem_shared>>) offsets(%dma_start3A_234 : memref<128xi32, #tpu.memory_space<vmem>>) semaphore(%arg21 : memref<!tpu.dma_semaphore, #tpu.memory_space<semaphore_mem>>) {add = true}
    }
    %scan3A_20 = arith.constant 19 : i32
    %dma_wait3A = arith.constant 74 : i32
    %dma_wait3A_21 = arith.constant 0 : i32
    %dma_wait3A_22 = tpu.memref_slice %arg8[%dma_wait3A, %dma_wait3A_21] : memref<79x128xi32, #tpu.memory_space<vmem>> -> memref<1x128xi32, #tpu.memory_space<vmem>>
    %dma_wait3A_23 = tpu.memref_squeeze %dma_wait3A_22 : memref<1x128xi32, #tpu.memory_space<vmem>> -> memref<128xi32, #tpu.memory_space<vmem>>
    %dma_wait3A_24 = arith.constant 0 : i32
    %dma_wait3A_25 = arith.constant 0 : i32
    %dma_wait3A_26 = tpu.memref_slice %arg13[%dma_wait3A_24, %dma_wait3A_25] : memref<10016x32xf32, #tpu.memory_space<vmem_shared>> -> memref<10016x32xf32, #tpu.memory_space<vmem_shared>>
    tpu.wait_indirect_dma semaphore(%arg20 : memref<!tpu.dma_semaphore, #tpu.memory_space<semaphore_mem>>) src(%arg11 : memref<128x32xf32, #tpu.memory_space<vmem>>) dst(%dma_wait3A_26 : memref<10016x32xf32, #tpu.memory_space<vmem_shared>>)
    %dma_start3A_27 = arith.constant 78 : i32
    %dma_start3A_28 = arith.constant 0 : i32
    %dma_start3A_29 = tpu.memref_slice %arg7[%dma_start3A_27, %dma_start3A_28] : memref<79x128xi32, #tpu.memory_space<vmem>> -> memref<1x128xi32, #tpu.memory_space<vmem>>
    %dma_start3A_30 = tpu.memref_squeeze %dma_start3A_29 : memref<1x128xi32, #tpu.memory_space<vmem>> -> memref<128xi32, #tpu.memory_space<vmem>>
    %dma_start3A_31 = arith.constant 0 : i32
    %dma_start3A_32 = arith.constant 0 : i32
    %dma_start3A_33 = tpu.memref_slice %arg2[%dma_start3A_31, %dma_start3A_32] : memref<10000x32xf32, #tpu.memory_space<hbm>> -> memref<10000x32xf32, #tpu.memory_space<hbm>>
    tpu.enqueue_indirect_dma source(%dma_start3A_33 : memref<10000x32xf32, #tpu.memory_space<hbm>>) target(%arg11 : memref<128x32xf32, #tpu.memory_space<vmem>>) offsets(%dma_start3A_30 : memref<128xi32, #tpu.memory_space<vmem>>) semaphore(%arg16 : memref<!tpu.dma_semaphore, #tpu.memory_space<semaphore_mem>>)
    %dma_wait3A_34 = arith.constant 76 : i32
    %dma_wait3A_35 = arith.constant 0 : i32
    %dma_wait3A_36 = tpu.memref_slice %arg7[%dma_wait3A_34, %dma_wait3A_35] : memref<79x128xi32, #tpu.memory_space<vmem>> -> memref<1x128xi32, #tpu.memory_space<vmem>>
    %dma_wait3A_37 = tpu.memref_squeeze %dma_wait3A_36 : memref<1x128xi32, #tpu.memory_space<vmem>> -> memref<128xi32, #tpu.memory_space<vmem>>
    %dma_wait3A_38 = arith.constant 0 : i32
    %dma_wait3A_39 = arith.constant 0 : i32
    %dma_wait3A_40 = tpu.memref_slice %arg2[%dma_wait3A_38, %dma_wait3A_39] : memref<10000x32xf32, #tpu.memory_space<hbm>> -> memref<10000x32xf32, #tpu.memory_space<hbm>>
    tpu.wait_indirect_dma semaphore(%arg14 : memref<!tpu.dma_semaphore, #tpu.memory_space<semaphore_mem>>) src(%dma_wait3A_40 : memref<10000x32xf32, #tpu.memory_space<hbm>>) dst(%arg9 : memref<128x32xf32, #tpu.memory_space<vmem>>)
    %dma_start3A_41 = arith.constant 76 : i32
    %dma_start3A_42 = arith.constant 0 : i32
    %dma_start3A_43 = tpu.memref_slice %arg8[%dma_start3A_41, %dma_start3A_42] : memref<79x128xi32, #tpu.memory_space<vmem>> -> memref<1x128xi32, #tpu.memory_space<vmem>>
    %dma_start3A_44 = tpu.memref_squeeze %dma_start3A_43 : memref<1x128xi32, #tpu.memory_space<vmem>> -> memref<128xi32, #tpu.memory_space<vmem>>
    %dma_start3A_45 = arith.constant 0 : i32
    %dma_start3A_46 = arith.constant 0 : i32
    %dma_start3A_47 = tpu.memref_slice %arg13[%dma_start3A_45, %dma_start3A_46] : memref<10016x32xf32, #tpu.memory_space<vmem_shared>> -> memref<10016x32xf32, #tpu.memory_space<vmem_shared>>
    tpu.enqueue_indirect_dma source(%arg9 : memref<128x32xf32, #tpu.memory_space<vmem>>) target(%dma_start3A_47 : memref<10016x32xf32, #tpu.memory_space<vmem_shared>>) offsets(%dma_start3A_44 : memref<128xi32, #tpu.memory_space<vmem>>) semaphore(%arg18 : memref<!tpu.dma_semaphore, #tpu.memory_space<semaphore_mem>>) {add = true}
    %dma_wait3A_48 = arith.constant 75 : i32
    %dma_wait3A_49 = arith.constant 0 : i32
    %dma_wait3A_50 = tpu.memref_slice %arg8[%dma_wait3A_48, %dma_wait3A_49] : memref<79x128xi32, #tpu.memory_space<vmem>> -> memref<1x128xi32, #tpu.memory_space<vmem>>
    %dma_wait3A_51 = tpu.memref_squeeze %dma_wait3A_50 : memref<1x128xi32, #tpu.memory_space<vmem>> -> memref<128xi32, #tpu.memory_space<vmem>>
    %dma_wait3A_52 = arith.constant 0 : i32
    %dma_wait3A_53 = arith.constant 0 : i32
    %dma_wait3A_54 = tpu.memref_slice %arg13[%dma_wait3A_52, %dma_wait3A_53] : memref<10016x32xf32, #tpu.memory_space<vmem_shared>> -> memref<10016x32xf32, #tpu.memory_space<vmem_shared>>
    tpu.wait_indirect_dma semaphore(%arg21 : memref<!tpu.dma_semaphore, #tpu.memory_space<semaphore_mem>>) src(%arg12 : memref<128x32xf32, #tpu.memory_space<vmem>>) dst(%dma_wait3A_54 : memref<10016x32xf32, #tpu.memory_space<vmem_shared>>)
    %dma_wait3A_55 = arith.constant 77 : i32
    %dma_wait3A_56 = arith.constant 0 : i32
    %dma_wait3A_57 = tpu.memref_slice %arg7[%dma_wait3A_55, %dma_wait3A_56] : memref<79x128xi32, #tpu.memory_space<vmem>> -> memref<1x128xi32, #tpu.memory_space<vmem>>
    %dma_wait3A_58 = tpu.memref_squeeze %dma_wait3A_57 : memref<1x128xi32, #tpu.memory_space<vmem>> -> memref<128xi32, #tpu.memory_space<vmem>>
    %dma_wait3A_59 = arith.constant 0 : i32
    %dma_wait3A_60 = arith.constant 0 : i32
    %dma_wait3A_61 = tpu.memref_slice %arg2[%dma_wait3A_59, %dma_wait3A_60] : memref<10000x32xf32, #tpu.memory_space<hbm>> -> memref<10000x32xf32, #tpu.memory_space<hbm>>
    tpu.wait_indirect_dma semaphore(%arg15 : memref<!tpu.dma_semaphore, #tpu.memory_space<semaphore_mem>>) src(%dma_wait3A_61 : memref<10000x32xf32, #tpu.memory_space<hbm>>) dst(%arg10 : memref<128x32xf32, #tpu.memory_space<vmem>>)
    %dma_start3A_62 = arith.constant 77 : i32
    %dma_start3A_63 = arith.constant 0 : i32
    %dma_start3A_64 = tpu.memref_slice %arg8[%dma_start3A_62, %dma_start3A_63] : memref<79x128xi32, #tpu.memory_space<vmem>> -> memref<1x128xi32, #tpu.memory_space<vmem>>
    %dma_start3A_65 = tpu.memref_squeeze %dma_start3A_64 : memref<1x128xi32, #tpu.memory_space<vmem>> -> memref<128xi32, #tpu.memory_space<vmem>>
    %dma_start3A_66 = arith.constant 0 : i32
    %dma_start3A_67 = arith.constant 0 : i32
    %dma_start3A_68 = tpu.memref_slice %arg13[%dma_start3A_66, %dma_start3A_67] : memref<10016x32xf32, #tpu.memory_space<vmem_shared>> -> memref<10016x32xf32, #tpu.memory_space<vmem_shared>>
    tpu.enqueue_indirect_dma source(%arg10 : memref<128x32xf32, #tpu.memory_space<vmem>>) target(%dma_start3A_68 : memref<10016x32xf32, #tpu.memory_space<vmem_shared>>) offsets(%dma_start3A_65 : memref<128xi32, #tpu.memory_space<vmem>>) semaphore(%arg19 : memref<!tpu.dma_semaphore, #tpu.memory_space<semaphore_mem>>) {add = true}
    %dma_wait3A_69 = arith.constant 76 : i32
    %dma_wait3A_70 = arith.constant 0 : i32
    %dma_wait3A_71 = tpu.memref_slice %arg8[%dma_wait3A_69, %dma_wait3A_70] : memref<79x128xi32, #tpu.memory_space<vmem>> -> memref<1x128xi32, #tpu.memory_space<vmem>>
    %dma_wait3A_72 = tpu.memref_squeeze %dma_wait3A_71 : memref<1x128xi32, #tpu.memory_space<vmem>> -> memref<128xi32, #tpu.memory_space<vmem>>
    %dma_wait3A_73 = arith.constant 0 : i32
    %dma_wait3A_74 = arith.constant 0 : i32
    %dma_wait3A_75 = tpu.memref_slice %arg13[%dma_wait3A_73, %dma_wait3A_74] : memref<10016x32xf32, #tpu.memory_space<vmem_shared>> -> memref<10016x32xf32, #tpu.memory_space<vmem_shared>>
    tpu.wait_indirect_dma semaphore(%arg18 : memref<!tpu.dma_semaphore, #tpu.memory_space<semaphore_mem>>) src(%arg9 : memref<128x32xf32, #tpu.memory_space<vmem>>) dst(%dma_wait3A_75 : memref<10016x32xf32, #tpu.memory_space<vmem_shared>>)
    %dma_wait3A_76 = arith.constant 78 : i32
    %dma_wait3A_77 = arith.constant 0 : i32
    %dma_wait3A_78 = tpu.memref_slice %arg7[%dma_wait3A_76, %dma_wait3A_77] : memref<79x128xi32, #tpu.memory_space<vmem>> -> memref<1x128xi32, #tpu.memory_space<vmem>>
    %dma_wait3A_79 = tpu.memref_squeeze %dma_wait3A_78 : memref<1x128xi32, #tpu.memory_space<vmem>> -> memref<128xi32, #tpu.memory_space<vmem>>
    %dma_wait3A_80 = arith.constant 0 : i32
    %dma_wait3A_81 = arith.constant 0 : i32
    %dma_wait3A_82 = tpu.memref_slice %arg2[%dma_wait3A_80, %dma_wait3A_81] : memref<10000x32xf32, #tpu.memory_space<hbm>> -> memref<10000x32xf32, #tpu.memory_space<hbm>>
    tpu.wait_indirect_dma semaphore(%arg16 : memref<!tpu.dma_semaphore, #tpu.memory_space<semaphore_mem>>) src(%dma_wait3A_82 : memref<10000x32xf32, #tpu.memory_space<hbm>>) dst(%arg11 : memref<128x32xf32, #tpu.memory_space<vmem>>)
    %dma_start3A_83 = arith.constant 78 : i32
    %dma_start3A_84 = arith.constant 0 : i32
    %dma_start3A_85 = tpu.memref_slice %arg8[%dma_start3A_83, %dma_start3A_84] : memref<79x128xi32, #tpu.memory_space<vmem>> -> memref<1x128xi32, #tpu.memory_space<vmem>>
    %dma_start3A_86 = tpu.memref_squeeze %dma_start3A_85 : memref<1x128xi32, #tpu.memory_space<vmem>> -> memref<128xi32, #tpu.memory_space<vmem>>
    %dma_start3A_87 = arith.constant 0 : i32
    %dma_start3A_88 = arith.constant 0 : i32
    %dma_start3A_89 = tpu.memref_slice %arg13[%dma_start3A_87, %dma_start3A_88] : memref<10016x32xf32, #tpu.memory_space<vmem_shared>> -> memref<10016x32xf32, #tpu.memory_space<vmem_shared>>
    tpu.enqueue_indirect_dma source(%arg11 : memref<128x32xf32, #tpu.memory_space<vmem>>) target(%dma_start3A_89 : memref<10016x32xf32, #tpu.memory_space<vmem_shared>>) offsets(%dma_start3A_86 : memref<128xi32, #tpu.memory_space<vmem>>) semaphore(%arg20 : memref<!tpu.dma_semaphore, #tpu.memory_space<semaphore_mem>>) {add = true}
    %dma_wait3A_90 = arith.constant 77 : i32
    %dma_wait3A_91 = arith.constant 0 : i32
    %dma_wait3A_92 = tpu.memref_slice %arg8[%dma_wait3A_90, %dma_wait3A_91] : memref<79x128xi32, #tpu.memory_space<vmem>> -> memref<1x128xi32, #tpu.memory_space<vmem>>
    %dma_wait3A_93 = tpu.memref_squeeze %dma_wait3A_92 : memref<1x128xi32, #tpu.memory_space<vmem>> -> memref<128xi32, #tpu.memory_space<vmem>>
    %dma_wait3A_94 = arith.constant 0 : i32
    %dma_wait3A_95 = arith.constant 0 : i32
    %dma_wait3A_96 = tpu.memref_slice %arg13[%dma_wait3A_94, %dma_wait3A_95] : memref<10016x32xf32, #tpu.memory_space<vmem_shared>> -> memref<10016x32xf32, #tpu.memory_space<vmem_shared>>
    tpu.wait_indirect_dma semaphore(%arg19 : memref<!tpu.dma_semaphore, #tpu.memory_space<semaphore_mem>>) src(%arg10 : memref<128x32xf32, #tpu.memory_space<vmem>>) dst(%dma_wait3A_96 : memref<10016x32xf32, #tpu.memory_space<vmem_shared>>)
    %dma_wait3A_97 = arith.constant 78 : i32
    %dma_wait3A_98 = arith.constant 0 : i32
    %dma_wait3A_99 = tpu.memref_slice %arg8[%dma_wait3A_97, %dma_wait3A_98] : memref<79x128xi32, #tpu.memory_space<vmem>> -> memref<1x128xi32, #tpu.memory_space<vmem>>
    %dma_wait3A_100 = tpu.memref_squeeze %dma_wait3A_99 : memref<1x128xi32, #tpu.memory_space<vmem>> -> memref<128xi32, #tpu.memory_space<vmem>>
    %dma_wait3A_101 = arith.constant 0 : i32
    %dma_wait3A_102 = arith.constant 0 : i32
    %dma_wait3A_103 = tpu.memref_slice %arg13[%dma_wait3A_101, %dma_wait3A_102] : memref<10016x32xf32, #tpu.memory_space<vmem_shared>> -> memref<10016x32xf32, #tpu.memory_space<vmem_shared>>
    tpu.wait_indirect_dma semaphore(%arg20 : memref<!tpu.dma_semaphore, #tpu.memory_space<semaphore_mem>>) src(%arg11 : memref<128x32xf32, #tpu.memory_space<vmem>>) dst(%dma_wait3A_103 : memref<10016x32xf32, #tpu.memory_space<vmem_shared>>)
    %barrier3A_104 = arith.constant 0 : index
    tpu.barrier barrier_id(%barrier3A_104)
    %eq3A_105 = arith.constant 0 : i32
    %eq3A_106 = arith.cmpi eq, %arg1, %eq3A_105 : i32
    %convert_element_type3A_107 = arith.extui %eq3A_106 : i1 to i32
    %cond3A_108 = arith.constant 0 : i32
    %cond3A_109 = arith.cmpi ne, %convert_element_type3A_107, %cond3A_108 : i32
    scf.if %cond3A_109 {
      "tpu.region"() ({
        %run_scoped3A = tpu.sem_alloc : memref<!tpu.dma_semaphore, #tpu.memory_space<semaphore_mem>>
        %dma_start3A_110 = arith.constant 0 : i32
        %dma_start3A_111 = arith.constant 0 : i32
        %dma_start3A_112 = tpu.memref_slice %arg6[%arg0, %dma_start3A_110, %dma_start3A_111] : memref<2x10016x32xf32, #tpu.memory_space<hbm>> -> memref<1x10016x32xf32, #tpu.memory_space<hbm>>
        %dma_start3A_113 = tpu.memref_squeeze %dma_start3A_112 : memref<1x10016x32xf32, #tpu.memory_space<hbm>> -> memref<10016x32xf32, #tpu.memory_space<hbm>>
        tpu.enqueue_dma source(%arg13 : memref<10016x32xf32, #tpu.memory_space<vmem_shared>>) target(%dma_start3A_113 : memref<10016x32xf32, #tpu.memory_space<hbm>>) target_semaphore(%run_scoped3A : memref<!tpu.dma_semaphore, #tpu.memory_space<semaphore_mem>>)
        %dma_wait3A_114 = arith.constant 0 : i32
        %dma_wait3A_115 = arith.constant 0 : i32
        %dma_wait3A_116 = tpu.memref_slice %arg6[%arg0, %dma_wait3A_114, %dma_wait3A_115] : memref<2x10016x32xf32, #tpu.memory_space<hbm>> -> memref<1x10016x32xf32, #tpu.memory_space<hbm>>
        %dma_wait3A_117 = tpu.memref_squeeze %dma_wait3A_116 : memref<1x10016x32xf32, #tpu.memory_space<hbm>> -> memref<10016x32xf32, #tpu.memory_space<hbm>>
        tpu.wait_dma2 semaphore(%run_scoped3A : memref<!tpu.dma_semaphore, #tpu.memory_space<semaphore_mem>>) src(%arg13 : memref<10016x32xf32, #tpu.memory_space<vmem_shared>>) dst(%dma_wait3A_117 : memref<10016x32xf32, #tpu.memory_space<hbm>>)
        tpu.yield
      }) : () -> ()
    } else {
    }
    return
  }
}

#map = affine_map<(d0, d1) -> (0, 0)>
#map1 = affine_map<(d0, d1) -> (0, 0, 0)>
module attributes {stable_mosaic.version = 14 : i64} {
  func.func @k(%arg0: i32, %arg1: i32, %arg2: memref<10000x64xf32, #tpu.memory_space<hbm>>, %arg3: memref<32x79x128xi32, #tpu.memory_space<hbm>>, %arg4: memref<32x79x128xi32, #tpu.memory_space<hbm>>, %arg5: memref<10016x64xf32, #tpu.memory_space<hbm>>, %arg6: memref<2x10016x64xf32, #tpu.memory_space<hbm>>, %arg7: memref<79x128xi32, #tpu.memory_space<vmem>>, %arg8: memref<79x128xi32, #tpu.memory_space<vmem>>, %arg9: memref<128x64xf32, #tpu.memory_space<vmem>>, %arg10: memref<128x64xf32, #tpu.memory_space<vmem>>, %arg11: memref<128x64xf32, #tpu.memory_space<vmem>>, %arg12: memref<128x64xf32, #tpu.memory_space<vmem>>, %arg13: memref<10016x64xf32, #tpu.memory_space<vmem_shared>>, %arg14: memref<!tpu.dma_semaphore, #tpu.memory_space<semaphore_mem>>, %arg15: memref<!tpu.dma_semaphore, #tpu.memory_space<semaphore_mem>>, %arg16: memref<!tpu.dma_semaphore, #tpu.memory_space<semaphore_mem>>, %arg17: memref<!tpu.dma_semaphore, #tpu.memory_space<semaphore_mem>>, %arg18: memref<!tpu.dma_semaphore, #tpu.memory_space<semaphore_mem>>, %arg19: memref<!tpu.dma_semaphore, #tpu.memory_space<semaphore_mem>>, %arg20: memref<!tpu.dma_semaphore, #tpu.memory_space<semaphore_mem>>, %arg21: memref<!tpu.dma_semaphore, #tpu.memory_space<semaphore_mem>>) attributes {dimension_semantics = [#tpu.dimension_semantics<core_parallel>, #tpu.dimension_semantics<subcore_parallel>], iteration_bounds = array<i64: 2, 16>, scalar_prefetch = 0 : i64, scratch_operands = 15 : i64, tpu.core_type = #tpu.core_type<sc_vector_subcore>, window_params = [{transform_indices = #map}, {transform_indices = #map1}, {transform_indices = #map1}, {transform_indices = #map}, {transform_indices = #map1}]} {
    %mul3A = arith.constant 16 : i32
    %mul3A_0 = arith.muli %arg0, %mul3A : i32
    %add3A = arith.addi %mul3A_0, %arg1 : i32
    "tpu.region"() ({
      %run_scoped3A = tpu.sem_alloc : memref<!tpu.dma_semaphore, #tpu.memory_space<semaphore_mem>>
      %dma_start3A_110 = arith.constant 0 : i32
      %dma_start3A_111 = arith.constant 0 : i32
      %dma_start3A_112 = tpu.memref_slice %arg3[%add3A, %dma_start3A_110, %dma_start3A_111] : memref<32x79x128xi32, #tpu.memory_space<hbm>> -> memref<1x79x128xi32, #tpu.memory_space<hbm>>
      %dma_start3A_113 = tpu.memref_squeeze %dma_start3A_112 : memref<1x79x128xi32, #tpu.memory_space<hbm>> -> memref<79x128xi32, #tpu.memory_space<hbm>>
      %dma_start3A_114 = arith.constant 0 : i32
      %dma_start3A_115 = arith.constant 0 : i32
      %dma_start3A_116 = tpu.memref_slice %arg3[%add3A, %dma_start3A_114, %dma_start3A_115] : memref<32x79x128xi32, #tpu.memory_space<hbm>> -> memref<1x79x128xi32, #tpu.memory_space<hbm>>
      %dma_start3A_117 = tpu.memref_squeeze %dma_start3A_116 : memref<1x79x128xi32, #tpu.memory_space<hbm>> -> memref<79x128xi32, #tpu.memory_space<hbm>>
      tpu.enqueue_dma source(%dma_start3A_117 : memref<79x128xi32, #tpu.memory_space<hbm>>) target(%arg7 : memref<79x128xi32, #tpu.memory_space<vmem>>) target_semaphore(%run_scoped3A : memref<!tpu.dma_semaphore, #tpu.memory_space<semaphore_mem>>)
      %dma_wait3A_118 = arith.constant 0 : i32
      %dma_wait3A_119 = arith.constant 0 : i32
      %dma_wait3A_120 = tpu.memref_slice %arg3[%add3A, %dma_wait3A_118, %dma_wait3A_119] : memref<32x79x128xi32, #tpu.memory_space<hbm>> -> memref<1x79x128xi32, #tpu.memory_space<hbm>>
      %dma_wait3A_121 = tpu.memref_squeeze %dma_wait3A_120 : memref<1x79x128xi32, #tpu.memory_space<hbm>> -> memref<79x128xi32, #tpu.memory_space<hbm>>
      %dma_wait3A_122 = arith.constant 0 : i32
      %dma_wait3A_123 = arith.constant 0 : i32
      %dma_wait3A_124 = tpu.memref_slice %arg3[%add3A, %dma_wait3A_122, %dma_wait3A_123] : memref<32x79x128xi32, #tpu.memory_space<hbm>> -> memref<1x79x128xi32, #tpu.memory_space<hbm>>
      %dma_wait3A_125 = tpu.memref_squeeze %dma_wait3A_124 : memref<1x79x128xi32, #tpu.memory_space<hbm>> -> memref<79x128xi32, #tpu.memory_space<hbm>>
      tpu.wait_dma2 semaphore(%run_scoped3A : memref<!tpu.dma_semaphore, #tpu.memory_space<semaphore_mem>>) src(%dma_wait3A_125 : memref<79x128xi32, #tpu.memory_space<hbm>>) dst(%arg7 : memref<79x128xi32, #tpu.memory_space<vmem>>)
      tpu.yield
    }) : () -> ()
    "tpu.region"() ({
      %run_scoped3A = tpu.sem_alloc : memref<!tpu.dma_semaphore, #tpu.memory_space<semaphore_mem>>
      %dma_start3A_110 = arith.constant 0 : i32
      %dma_start3A_111 = arith.constant 0 : i32
      %dma_start3A_112 = tpu.memref_slice %arg4[%add3A, %dma_start3A_110, %dma_start3A_111] : memref<32x79x128xi32, #tpu.memory_space<hbm>> -> memref<1x79x128xi32, #tpu.memory_space<hbm>>
      %dma_start3A_113 = tpu.memref_squeeze %dma_start3A_112 : memref<1x79x128xi32, #tpu.memory_space<hbm>> -> memref<79x128xi32, #tpu.memory_space<hbm>>
      %dma_start3A_114 = arith.constant 0 : i32
      %dma_start3A_115 = arith.constant 0 : i32
      %dma_start3A_116 = tpu.memref_slice %arg4[%add3A, %dma_start3A_114, %dma_start3A_115] : memref<32x79x128xi32, #tpu.memory_space<hbm>> -> memref<1x79x128xi32, #tpu.memory_space<hbm>>
      %dma_start3A_117 = tpu.memref_squeeze %dma_start3A_116 : memref<1x79x128xi32, #tpu.memory_space<hbm>> -> memref<79x128xi32, #tpu.memory_space<hbm>>
      tpu.enqueue_dma source(%dma_start3A_117 : memref<79x128xi32, #tpu.memory_space<hbm>>) target(%arg8 : memref<79x128xi32, #tpu.memory_space<vmem>>) target_semaphore(%run_scoped3A : memref<!tpu.dma_semaphore, #tpu.memory_space<semaphore_mem>>)
      %dma_wait3A_118 = arith.constant 0 : i32
      %dma_wait3A_119 = arith.constant 0 : i32
      %dma_wait3A_120 = tpu.memref_slice %arg4[%add3A, %dma_wait3A_118, %dma_wait3A_119] : memref<32x79x128xi32, #tpu.memory_space<hbm>> -> memref<1x79x128xi32, #tpu.memory_space<hbm>>
      %dma_wait3A_121 = tpu.memref_squeeze %dma_wait3A_120 : memref<1x79x128xi32, #tpu.memory_space<hbm>> -> memref<79x128xi32, #tpu.memory_space<hbm>>
      %dma_wait3A_122 = arith.constant 0 : i32
      %dma_wait3A_123 = arith.constant 0 : i32
      %dma_wait3A_124 = tpu.memref_slice %arg4[%add3A, %dma_wait3A_122, %dma_wait3A_123] : memref<32x79x128xi32, #tpu.memory_space<hbm>> -> memref<1x79x128xi32, #tpu.memory_space<hbm>>
      %dma_wait3A_125 = tpu.memref_squeeze %dma_wait3A_124 : memref<1x79x128xi32, #tpu.memory_space<hbm>> -> memref<79x128xi32, #tpu.memory_space<hbm>>
      tpu.wait_dma2 semaphore(%run_scoped3A : memref<!tpu.dma_semaphore, #tpu.memory_space<semaphore_mem>>) src(%dma_wait3A_125 : memref<79x128xi32, #tpu.memory_space<hbm>>) dst(%arg8 : memref<79x128xi32, #tpu.memory_space<vmem>>)
      tpu.yield
    }) : () -> ()
    %eq3A = arith.constant 0 : i32
    %eq3A_1 = arith.cmpi eq, %arg1, %eq3A : i32
    %convert_element_type3A = arith.extui %eq3A_1 : i1 to i32
    %cond3A = arith.constant 0 : i32
    %cond3A_2 = arith.cmpi ne, %convert_element_type3A, %cond3A : i32
    scf.if %cond3A_2 {
      "tpu.region"() ({
        %run_scoped3A = tpu.sem_alloc : memref<!tpu.dma_semaphore, #tpu.memory_space<semaphore_mem>>
        tpu.enqueue_dma source(%arg5 : memref<10016x64xf32, #tpu.memory_space<hbm>>) target(%arg13 : memref<10016x64xf32, #tpu.memory_space<vmem_shared>>) target_semaphore(%run_scoped3A : memref<!tpu.dma_semaphore, #tpu.memory_space<semaphore_mem>>)
        tpu.wait_dma2 semaphore(%run_scoped3A : memref<!tpu.dma_semaphore, #tpu.memory_space<semaphore_mem>>) src(%arg5 : memref<10016x64xf32, #tpu.memory_space<hbm>>) dst(%arg13 : memref<10016x64xf32, #tpu.memory_space<vmem_shared>>)
        tpu.yield
      }) : () -> ()
    } else {
    }
    %barrier3A = arith.constant 0 : index
    tpu.barrier barrier_id(%barrier3A)
    %dma_start3A = arith.constant 0 : i32
    %dma_start3A_3 = arith.constant 0 : i32
    %dma_start3A_4 = tpu.memref_slice %arg7[%dma_start3A, %dma_start3A_3] : memref<79x128xi32, #tpu.memory_space<vmem>> -> memref<1x128xi32, #tpu.memory_space<vmem>>
    %dma_start3A_5 = tpu.memref_squeeze %dma_start3A_4 : memref<1x128xi32, #tpu.memory_space<vmem>> -> memref<128xi32, #tpu.memory_space<vmem>>
    %dma_start3A_6 = arith.constant 0 : i32
    %dma_start3A_7 = arith.constant 0 : i32
    %dma_start3A_8 = tpu.memref_slice %arg2[%dma_start3A_6, %dma_start3A_7] : memref<10000x64xf32, #tpu.memory_space<hbm>> -> memref<10000x64xf32, #tpu.memory_space<hbm>>
    tpu.enqueue_indirect_dma source(%dma_start3A_8 : memref<10000x64xf32, #tpu.memory_space<hbm>>) target(%arg9 : memref<128x64xf32, #tpu.memory_space<vmem>>) offsets(%dma_start3A_5 : memref<128xi32, #tpu.memory_space<vmem>>) semaphore(%arg14 : memref<!tpu.dma_semaphore, #tpu.memory_space<semaphore_mem>>)
    %dma_start3A_9 = arith.constant 1 : i32
    %dma_start3A_10 = arith.constant 0 : i32
    %dma_start3A_11 = tpu.memref_slice %arg7[%dma_start3A_9, %dma_start3A_10] : memref<79x128xi32, #tpu.memory_space<vmem>> -> memref<1x128xi32, #tpu.memory_space<vmem>>
    %dma_start3A_12 = tpu.memref_squeeze %dma_start3A_11 : memref<1x128xi32, #tpu.memory_space<vmem>> -> memref<128xi32, #tpu.memory_space<vmem>>
    %dma_start3A_13 = arith.constant 0 : i32
    %dma_start3A_14 = arith.constant 0 : i32
    %dma_start3A_15 = tpu.memref_slice %arg2[%dma_start3A_13, %dma_start3A_14] : memref<10000x64xf32, #tpu.memory_space<hbm>> -> memref<10000x64xf32, #tpu.memory_space<hbm>>
    tpu.enqueue_indirect_dma source(%dma_start3A_15 : memref<10000x64xf32, #tpu.memory_space<hbm>>) target(%arg10 : memref<128x64xf32, #tpu.memory_space<vmem>>) offsets(%dma_start3A_12 : memref<128xi32, #tpu.memory_space<vmem>>) semaphore(%arg15 : memref<!tpu.dma_semaphore, #tpu.memory_space<semaphore_mem>>)
    %scan3A = arith.constant 0 : i32
    %scan3A_16 = arith.constant 0 : i32
    %scan3A_17 = arith.constant 19 : i32
    %scan3A_18 = arith.addi %scan3A_16, %scan3A_17 : i32
    %scan3A_19 = arith.constant 1 : i32
    scf.for %scan3A_110 = %scan3A_16 to %scan3A_18 step %scan3A_19  : i32 {
      %mul3A_111 = arith.constant 4 : i32
      %mul3A_112 = arith.muli %mul3A_111, %scan3A_110 : i32
      %add3A_113 = arith.constant 0 : i32
      %add3A_114 = arith.addi %mul3A_112, %add3A_113 : i32
      %gt3A = arith.constant 0 : i32
      %gt3A_115 = arith.cmpi sgt, %scan3A_110, %gt3A : i32
      %convert_element_type3A_116 = arith.extui %gt3A_115 : i1 to i32
      %cond3A_117 = arith.constant 0 : i32
      %cond3A_118 = arith.cmpi ne, %convert_element_type3A_116, %cond3A_117 : i32
      scf.if %cond3A_118 {
        %sub3A_238 = arith.constant 2 : i32
        %sub3A_239 = arith.subi %add3A_114, %sub3A_238 : i32
        %dma_wait3A_240 = arith.constant 0 : i32
        %dma_wait3A_241 = tpu.memref_slice %arg8[%sub3A_239, %dma_wait3A_240] : memref<79x128xi32, #tpu.memory_space<vmem>> -> memref<1x128xi32, #tpu.memory_space<vmem>>
        %dma_wait3A_242 = tpu.memref_squeeze %dma_wait3A_241 : memref<1x128xi32, #tpu.memory_space<vmem>> -> memref<128xi32, #tpu.memory_space<vmem>>
        %dma_wait3A_243 = arith.constant 0 : i32
        %dma_wait3A_244 = arith.constant 0 : i32
        %dma_wait3A_245 = tpu.memref_slice %arg13[%dma_wait3A_243, %dma_wait3A_244] : memref<10016x64xf32, #tpu.memory_space<vmem_shared>> -> memref<10016x64xf32, #tpu.memory_space<vmem_shared>>
        tpu.wait_indirect_dma semaphore(%arg20 : memref<!tpu.dma_semaphore, #tpu.memory_space<semaphore_mem>>) src(%arg11 : memref<128x64xf32, #tpu.memory_space<vmem>>) dst(%dma_wait3A_245 : memref<10016x64xf32, #tpu.memory_space<vmem_shared>>)
      } else {
      }
      %add3A_119 = arith.constant 2 : i32
      %add3A_120 = arith.addi %add3A_114, %add3A_119 : i32
      %min3A = arith.constant 78 : i32
      %min3A_121 = arith.minsi %add3A_120, %min3A : i32
      %dma_start3A_122 = arith.constant 0 : i32
      %dma_start3A_123 = tpu.memref_slice %arg7[%min3A_121, %dma_start3A_122] : memref<79x128xi32, #tpu.memory_space<vmem>> -> memref<1x128xi32, #tpu.memory_space<vmem>>
      %dma_start3A_124 = tpu.memref_squeeze %dma_start3A_123 : memref<1x128xi32, #tpu.memory_space<vmem>> -> memref<128xi32, #tpu.memory_space<vmem>>
      %dma_start3A_125 = arith.constant 0 : i32
      %dma_start3A_126 = arith.constant 0 : i32
      %dma_start3A_127 = tpu.memref_slice %arg2[%dma_start3A_125, %dma_start3A_126] : memref<10000x64xf32, #tpu.memory_space<hbm>> -> memref<10000x64xf32, #tpu.memory_space<hbm>>
      tpu.enqueue_indirect_dma source(%dma_start3A_127 : memref<10000x64xf32, #tpu.memory_space<hbm>>) target(%arg11 : memref<128x64xf32, #tpu.memory_space<vmem>>) offsets(%dma_start3A_124 : memref<128xi32, #tpu.memory_space<vmem>>) semaphore(%arg16 : memref<!tpu.dma_semaphore, #tpu.memory_space<semaphore_mem>>)
      %dma_wait3A_128 = arith.constant 0 : i32
      %dma_wait3A_129 = tpu.memref_slice %arg7[%add3A_114, %dma_wait3A_128] : memref<79x128xi32, #tpu.memory_space<vmem>> -> memref<1x128xi32, #tpu.memory_space<vmem>>
      %dma_wait3A_130 = tpu.memref_squeeze %dma_wait3A_129 : memref<1x128xi32, #tpu.memory_space<vmem>> -> memref<128xi32, #tpu.memory_space<vmem>>
      %dma_wait3A_131 = arith.constant 0 : i32
      %dma_wait3A_132 = arith.constant 0 : i32
      %dma_wait3A_133 = tpu.memref_slice %arg2[%dma_wait3A_131, %dma_wait3A_132] : memref<10000x64xf32, #tpu.memory_space<hbm>> -> memref<10000x64xf32, #tpu.memory_space<hbm>>
      tpu.wait_indirect_dma semaphore(%arg14 : memref<!tpu.dma_semaphore, #tpu.memory_space<semaphore_mem>>) src(%dma_wait3A_133 : memref<10000x64xf32, #tpu.memory_space<hbm>>) dst(%arg9 : memref<128x64xf32, #tpu.memory_space<vmem>>)
      %dma_start3A_134 = arith.constant 0 : i32
      %dma_start3A_135 = tpu.memref_slice %arg8[%add3A_114, %dma_start3A_134] : memref<79x128xi32, #tpu.memory_space<vmem>> -> memref<1x128xi32, #tpu.memory_space<vmem>>
      %dma_start3A_136 = tpu.memref_squeeze %dma_start3A_135 : memref<1x128xi32, #tpu.memory_space<vmem>> -> memref<128xi32, #tpu.memory_space<vmem>>
      %dma_start3A_137 = arith.constant 0 : i32
      %dma_start3A_138 = arith.constant 0 : i32
      %dma_start3A_139 = tpu.memref_slice %arg13[%dma_start3A_137, %dma_start3A_138] : memref<10016x64xf32, #tpu.memory_space<vmem_shared>> -> memref<10016x64xf32, #tpu.memory_space<vmem_shared>>
      tpu.enqueue_indirect_dma source(%arg9 : memref<128x64xf32, #tpu.memory_space<vmem>>) target(%dma_start3A_139 : memref<10016x64xf32, #tpu.memory_space<vmem_shared>>) offsets(%dma_start3A_136 : memref<128xi32, #tpu.memory_space<vmem>>) semaphore(%arg18 : memref<!tpu.dma_semaphore, #tpu.memory_space<semaphore_mem>>) {add = true}
      %mul3A_140 = arith.constant 4 : i32
      %mul3A_141 = arith.muli %mul3A_140, %scan3A_110 : i32
      %add3A_142 = arith.constant 1 : i32
      %add3A_143 = arith.addi %mul3A_141, %add3A_142 : i32
      %gt3A_144 = arith.constant 0 : i32
      %gt3A_145 = arith.cmpi sgt, %scan3A_110, %gt3A_144 : i32
      %convert_element_type3A_146 = arith.extui %gt3A_145 : i1 to i32
      %cond3A_147 = arith.constant 0 : i32
      %cond3A_148 = arith.cmpi ne, %convert_element_type3A_146, %cond3A_147 : i32
      scf.if %cond3A_148 {
        %sub3A_238 = arith.constant 2 : i32
        %sub3A_239 = arith.subi %add3A_143, %sub3A_238 : i32
        %dma_wait3A_240 = arith.constant 0 : i32
        %dma_wait3A_241 = tpu.memref_slice %arg8[%sub3A_239, %dma_wait3A_240] : memref<79x128xi32, #tpu.memory_space<vmem>> -> memref<1x128xi32, #tpu.memory_space<vmem>>
        %dma_wait3A_242 = tpu.memref_squeeze %dma_wait3A_241 : memref<1x128xi32, #tpu.memory_space<vmem>> -> memref<128xi32, #tpu.memory_space<vmem>>
        %dma_wait3A_243 = arith.constant 0 : i32
        %dma_wait3A_244 = arith.constant 0 : i32
        %dma_wait3A_245 = tpu.memref_slice %arg13[%dma_wait3A_243, %dma_wait3A_244] : memref<10016x64xf32, #tpu.memory_space<vmem_shared>> -> memref<10016x64xf32, #tpu.memory_space<vmem_shared>>
        tpu.wait_indirect_dma semaphore(%arg21 : memref<!tpu.dma_semaphore, #tpu.memory_space<semaphore_mem>>) src(%arg12 : memref<128x64xf32, #tpu.memory_space<vmem>>) dst(%dma_wait3A_245 : memref<10016x64xf32, #tpu.memory_space<vmem_shared>>)
      } else {
      }
      %add3A_149 = arith.constant 2 : i32
      %add3A_150 = arith.addi %add3A_143, %add3A_149 : i32
      %min3A_151 = arith.constant 78 : i32
      %min3A_152 = arith.minsi %add3A_150, %min3A_151 : i32
      %dma_start3A_153 = arith.constant 0 : i32
      %dma_start3A_154 = tpu.memref_slice %arg7[%min3A_152, %dma_start3A_153] : memref<79x128xi32, #tpu.memory_space<vmem>> -> memref<1x128xi32, #tpu.memory_space<vmem>>
      %dma_start3A_155 = tpu.memref_squeeze %dma_start3A_154 : memref<1x128xi32, #tpu.memory_space<vmem>> -> memref<128xi32, #tpu.memory_space<vmem>>
      %dma_start3A_156 = arith.constant 0 : i32
      %dma_start3A_157 = arith.constant 0 : i32
      %dma_start3A_158 = tpu.memref_slice %arg2[%dma_start3A_156, %dma_start3A_157] : memref<10000x64xf32, #tpu.memory_space<hbm>> -> memref<10000x64xf32, #tpu.memory_space<hbm>>
      tpu.enqueue_indirect_dma source(%dma_start3A_158 : memref<10000x64xf32, #tpu.memory_space<hbm>>) target(%arg12 : memref<128x64xf32, #tpu.memory_space<vmem>>) offsets(%dma_start3A_155 : memref<128xi32, #tpu.memory_space<vmem>>) semaphore(%arg17 : memref<!tpu.dma_semaphore, #tpu.memory_space<semaphore_mem>>)
      %dma_wait3A_159 = arith.constant 0 : i32
      %dma_wait3A_160 = tpu.memref_slice %arg7[%add3A_143, %dma_wait3A_159] : memref<79x128xi32, #tpu.memory_space<vmem>> -> memref<1x128xi32, #tpu.memory_space<vmem>>
      %dma_wait3A_161 = tpu.memref_squeeze %dma_wait3A_160 : memref<1x128xi32, #tpu.memory_space<vmem>> -> memref<128xi32, #tpu.memory_space<vmem>>
      %dma_wait3A_162 = arith.constant 0 : i32
      %dma_wait3A_163 = arith.constant 0 : i32
      %dma_wait3A_164 = tpu.memref_slice %arg2[%dma_wait3A_162, %dma_wait3A_163] : memref<10000x64xf32, #tpu.memory_space<hbm>> -> memref<10000x64xf32, #tpu.memory_space<hbm>>
      tpu.wait_indirect_dma semaphore(%arg15 : memref<!tpu.dma_semaphore, #tpu.memory_space<semaphore_mem>>) src(%dma_wait3A_164 : memref<10000x64xf32, #tpu.memory_space<hbm>>) dst(%arg10 : memref<128x64xf32, #tpu.memory_space<vmem>>)
      %dma_start3A_165 = arith.constant 0 : i32
      %dma_start3A_166 = tpu.memref_slice %arg8[%add3A_143, %dma_start3A_165] : memref<79x128xi32, #tpu.memory_space<vmem>> -> memref<1x128xi32, #tpu.memory_space<vmem>>
      %dma_start3A_167 = tpu.memref_squeeze %dma_start3A_166 : memref<1x128xi32, #tpu.memory_space<vmem>> -> memref<128xi32, #tpu.memory_space<vmem>>
      %dma_start3A_168 = arith.constant 0 : i32
      %dma_start3A_169 = arith.constant 0 : i32
      %dma_start3A_170 = tpu.memref_slice %arg13[%dma_start3A_168, %dma_start3A_169] : memref<10016x64xf32, #tpu.memory_space<vmem_shared>> -> memref<10016x64xf32, #tpu.memory_space<vmem_shared>>
      tpu.enqueue_indirect_dma source(%arg10 : memref<128x64xf32, #tpu.memory_space<vmem>>) target(%dma_start3A_170 : memref<10016x64xf32, #tpu.memory_space<vmem_shared>>) offsets(%dma_start3A_167 : memref<128xi32, #tpu.memory_space<vmem>>) semaphore(%arg19 : memref<!tpu.dma_semaphore, #tpu.memory_space<semaphore_mem>>) {add = true}
      %mul3A_171 = arith.constant 4 : i32
      %mul3A_172 = arith.muli %mul3A_171, %scan3A_110 : i32
      %add3A_173 = arith.constant 2 : i32
      %add3A_174 = arith.addi %mul3A_172, %add3A_173 : i32
      %sub3A = arith.constant 2 : i32
      %sub3A_175 = arith.subi %add3A_174, %sub3A : i32
      %dma_wait3A_176 = arith.constant 0 : i32
      %dma_wait3A_177 = tpu.memref_slice %arg8[%sub3A_175, %dma_wait3A_176] : memref<79x128xi32, #tpu.memory_space<vmem>> -> memref<1x128xi32, #tpu.memory_space<vmem>>
      %dma_wait3A_178 = tpu.memref_squeeze %dma_wait3A_177 : memref<1x128xi32, #tpu.memory_space<vmem>> -> memref<128xi32, #tpu.memory_space<vmem>>
      %dma_wait3A_179 = arith.constant 0 : i32
      %dma_wait3A_180 = arith.constant 0 : i32
      %dma_wait3A_181 = tpu.memref_slice %arg13[%dma_wait3A_179, %dma_wait3A_180] : memref<10016x64xf32, #tpu.memory_space<vmem_shared>> -> memref<10016x64xf32, #tpu.memory_space<vmem_shared>>
      tpu.wait_indirect_dma semaphore(%arg18 : memref<!tpu.dma_semaphore, #tpu.memory_space<semaphore_mem>>) src(%arg9 : memref<128x64xf32, #tpu.memory_space<vmem>>) dst(%dma_wait3A_181 : memref<10016x64xf32, #tpu.memory_space<vmem_shared>>)
      %add3A_182 = arith.constant 2 : i32
      %add3A_183 = arith.addi %add3A_174, %add3A_182 : i32
      %min3A_184 = arith.constant 78 : i32
      %min3A_185 = arith.minsi %add3A_183, %min3A_184 : i32
      %dma_start3A_186 = arith.constant 0 : i32
      %dma_start3A_187 = tpu.memref_slice %arg7[%min3A_185, %dma_start3A_186] : memref<79x128xi32, #tpu.memory_space<vmem>> -> memref<1x128xi32, #tpu.memory_space<vmem>>
      %dma_start3A_188 = tpu.memref_squeeze %dma_start3A_187 : memref<1x128xi32, #tpu.memory_space<vmem>> -> memref<128xi32, #tpu.memory_space<vmem>>
      %dma_start3A_189 = arith.constant 0 : i32
      %dma_start3A_190 = arith.constant 0 : i32
      %dma_start3A_191 = tpu.memref_slice %arg2[%dma_start3A_189, %dma_start3A_190] : memref<10000x64xf32, #tpu.memory_space<hbm>> -> memref<10000x64xf32, #tpu.memory_space<hbm>>
      tpu.enqueue_indirect_dma source(%dma_start3A_191 : memref<10000x64xf32, #tpu.memory_space<hbm>>) target(%arg9 : memref<128x64xf32, #tpu.memory_space<vmem>>) offsets(%dma_start3A_188 : memref<128xi32, #tpu.memory_space<vmem>>) semaphore(%arg14 : memref<!tpu.dma_semaphore, #tpu.memory_space<semaphore_mem>>)
      %dma_wait3A_192 = arith.constant 0 : i32
      %dma_wait3A_193 = tpu.memref_slice %arg7[%add3A_174, %dma_wait3A_192] : memref<79x128xi32, #tpu.memory_space<vmem>> -> memref<1x128xi32, #tpu.memory_space<vmem>>
      %dma_wait3A_194 = tpu.memref_squeeze %dma_wait3A_193 : memref<1x128xi32, #tpu.memory_space<vmem>> -> memref<128xi32, #tpu.memory_space<vmem>>
      %dma_wait3A_195 = arith.constant 0 : i32
      %dma_wait3A_196 = arith.constant 0 : i32
      %dma_wait3A_197 = tpu.memref_slice %arg2[%dma_wait3A_195, %dma_wait3A_196] : memref<10000x64xf32, #tpu.memory_space<hbm>> -> memref<10000x64xf32, #tpu.memory_space<hbm>>
      tpu.wait_indirect_dma semaphore(%arg16 : memref<!tpu.dma_semaphore, #tpu.memory_space<semaphore_mem>>) src(%dma_wait3A_197 : memref<10000x64xf32, #tpu.memory_space<hbm>>) dst(%arg11 : memref<128x64xf32, #tpu.memory_space<vmem>>)
      %dma_start3A_198 = arith.constant 0 : i32
      %dma_start3A_199 = tpu.memref_slice %arg8[%add3A_174, %dma_start3A_198] : memref<79x128xi32, #tpu.memory_space<vmem>> -> memref<1x128xi32, #tpu.memory_space<vmem>>
      %dma_start3A_200 = tpu.memref_squeeze %dma_start3A_199 : memref<1x128xi32, #tpu.memory_space<vmem>> -> memref<128xi32, #tpu.memory_space<vmem>>
      %dma_start3A_201 = arith.constant 0 : i32
      %dma_start3A_202 = arith.constant 0 : i32
      %dma_start3A_203 = tpu.memref_slice %arg13[%dma_start3A_201, %dma_start3A_202] : memref<10016x64xf32, #tpu.memory_space<vmem_shared>> -> memref<10016x64xf32, #tpu.memory_space<vmem_shared>>
      tpu.enqueue_indirect_dma source(%arg11 : memref<128x64xf32, #tpu.memory_space<vmem>>) target(%dma_start3A_203 : memref<10016x64xf32, #tpu.memory_space<vmem_shared>>) offsets(%dma_start3A_200 : memref<128xi32, #tpu.memory_space<vmem>>) semaphore(%arg20 : memref<!tpu.dma_semaphore, #tpu.memory_space<semaphore_mem>>) {add = true}
      %mul3A_204 = arith.constant 4 : i32
      %mul3A_205 = arith.muli %mul3A_204, %scan3A_110 : i32
      %add3A_206 = arith.constant 3 : i32
      %add3A_207 = arith.addi %mul3A_205, %add3A_206 : i32
      %sub3A_208 = arith.constant 2 : i32
      %sub3A_209 = arith.subi %add3A_207, %sub3A_208 : i32
      %dma_wait3A_210 = arith.constant 0 : i32
      %dma_wait3A_211 = tpu.memref_slice %arg8[%sub3A_209, %dma_wait3A_210] : memref<79x128xi32, #tpu.memory_space<vmem>> -> memref<1x128xi32, #tpu.memory_space<vmem>>
      %dma_wait3A_212 = tpu.memref_squeeze %dma_wait3A_211 : memref<1x128xi32, #tpu.memory_space<vmem>> -> memref<128xi32, #tpu.memory_space<vmem>>
      %dma_wait3A_213 = arith.constant 0 : i32
      %dma_wait3A_214 = arith.constant 0 : i32
      %dma_wait3A_215 = tpu.memref_slice %arg13[%dma_wait3A_213, %dma_wait3A_214] : memref<10016x64xf32, #tpu.memory_space<vmem_shared>> -> memref<10016x64xf32, #tpu.memory_space<vmem_shared>>
      tpu.wait_indirect_dma semaphore(%arg19 : memref<!tpu.dma_semaphore, #tpu.memory_space<semaphore_mem>>) src(%arg10 : memref<128x64xf32, #tpu.memory_space<vmem>>) dst(%dma_wait3A_215 : memref<10016x64xf32, #tpu.memory_space<vmem_shared>>)
      %add3A_216 = arith.constant 2 : i32
      %add3A_217 = arith.addi %add3A_207, %add3A_216 : i32
      %min3A_218 = arith.constant 78 : i32
      %min3A_219 = arith.minsi %add3A_217, %min3A_218 : i32
      %dma_start3A_220 = arith.constant 0 : i32
      %dma_start3A_221 = tpu.memref_slice %arg7[%min3A_219, %dma_start3A_220] : memref<79x128xi32, #tpu.memory_space<vmem>> -> memref<1x128xi32, #tpu.memory_space<vmem>>
      %dma_start3A_222 = tpu.memref_squeeze %dma_start3A_221 : memref<1x128xi32, #tpu.memory_space<vmem>> -> memref<128xi32, #tpu.memory_space<vmem>>
      %dma_start3A_223 = arith.constant 0 : i32
      %dma_start3A_224 = arith.constant 0 : i32
      %dma_start3A_225 = tpu.memref_slice %arg2[%dma_start3A_223, %dma_start3A_224] : memref<10000x64xf32, #tpu.memory_space<hbm>> -> memref<10000x64xf32, #tpu.memory_space<hbm>>
      tpu.enqueue_indirect_dma source(%dma_start3A_225 : memref<10000x64xf32, #tpu.memory_space<hbm>>) target(%arg10 : memref<128x64xf32, #tpu.memory_space<vmem>>) offsets(%dma_start3A_222 : memref<128xi32, #tpu.memory_space<vmem>>) semaphore(%arg15 : memref<!tpu.dma_semaphore, #tpu.memory_space<semaphore_mem>>)
      %dma_wait3A_226 = arith.constant 0 : i32
      %dma_wait3A_227 = tpu.memref_slice %arg7[%add3A_207, %dma_wait3A_226] : memref<79x128xi32, #tpu.memory_space<vmem>> -> memref<1x128xi32, #tpu.memory_space<vmem>>
      %dma_wait3A_228 = tpu.memref_squeeze %dma_wait3A_227 : memref<1x128xi32, #tpu.memory_space<vmem>> -> memref<128xi32, #tpu.memory_space<vmem>>
      %dma_wait3A_229 = arith.constant 0 : i32
      %dma_wait3A_230 = arith.constant 0 : i32
      %dma_wait3A_231 = tpu.memref_slice %arg2[%dma_wait3A_229, %dma_wait3A_230] : memref<10000x64xf32, #tpu.memory_space<hbm>> -> memref<10000x64xf32, #tpu.memory_space<hbm>>
      tpu.wait_indirect_dma semaphore(%arg17 : memref<!tpu.dma_semaphore, #tpu.memory_space<semaphore_mem>>) src(%dma_wait3A_231 : memref<10000x64xf32, #tpu.memory_space<hbm>>) dst(%arg12 : memref<128x64xf32, #tpu.memory_space<vmem>>)
      %dma_start3A_232 = arith.constant 0 : i32
      %dma_start3A_233 = tpu.memref_slice %arg8[%add3A_207, %dma_start3A_232] : memref<79x128xi32, #tpu.memory_space<vmem>> -> memref<1x128xi32, #tpu.memory_space<vmem>>
      %dma_start3A_234 = tpu.memref_squeeze %dma_start3A_233 : memref<1x128xi32, #tpu.memory_space<vmem>> -> memref<128xi32, #tpu.memory_space<vmem>>
      %dma_start3A_235 = arith.constant 0 : i32
      %dma_start3A_236 = arith.constant 0 : i32
      %dma_start3A_237 = tpu.memref_slice %arg13[%dma_start3A_235, %dma_start3A_236] : memref<10016x64xf32, #tpu.memory_space<vmem_shared>> -> memref<10016x64xf32, #tpu.memory_space<vmem_shared>>
      tpu.enqueue_indirect_dma source(%arg12 : memref<128x64xf32, #tpu.memory_space<vmem>>) target(%dma_start3A_237 : memref<10016x64xf32, #tpu.memory_space<vmem_shared>>) offsets(%dma_start3A_234 : memref<128xi32, #tpu.memory_space<vmem>>) semaphore(%arg21 : memref<!tpu.dma_semaphore, #tpu.memory_space<semaphore_mem>>) {add = true}
    }
    %scan3A_20 = arith.constant 19 : i32
    %dma_wait3A = arith.constant 74 : i32
    %dma_wait3A_21 = arith.constant 0 : i32
    %dma_wait3A_22 = tpu.memref_slice %arg8[%dma_wait3A, %dma_wait3A_21] : memref<79x128xi32, #tpu.memory_space<vmem>> -> memref<1x128xi32, #tpu.memory_space<vmem>>
    %dma_wait3A_23 = tpu.memref_squeeze %dma_wait3A_22 : memref<1x128xi32, #tpu.memory_space<vmem>> -> memref<128xi32, #tpu.memory_space<vmem>>
    %dma_wait3A_24 = arith.constant 0 : i32
    %dma_wait3A_25 = arith.constant 0 : i32
    %dma_wait3A_26 = tpu.memref_slice %arg13[%dma_wait3A_24, %dma_wait3A_25] : memref<10016x64xf32, #tpu.memory_space<vmem_shared>> -> memref<10016x64xf32, #tpu.memory_space<vmem_shared>>
    tpu.wait_indirect_dma semaphore(%arg20 : memref<!tpu.dma_semaphore, #tpu.memory_space<semaphore_mem>>) src(%arg11 : memref<128x64xf32, #tpu.memory_space<vmem>>) dst(%dma_wait3A_26 : memref<10016x64xf32, #tpu.memory_space<vmem_shared>>)
    %dma_start3A_27 = arith.constant 78 : i32
    %dma_start3A_28 = arith.constant 0 : i32
    %dma_start3A_29 = tpu.memref_slice %arg7[%dma_start3A_27, %dma_start3A_28] : memref<79x128xi32, #tpu.memory_space<vmem>> -> memref<1x128xi32, #tpu.memory_space<vmem>>
    %dma_start3A_30 = tpu.memref_squeeze %dma_start3A_29 : memref<1x128xi32, #tpu.memory_space<vmem>> -> memref<128xi32, #tpu.memory_space<vmem>>
    %dma_start3A_31 = arith.constant 0 : i32
    %dma_start3A_32 = arith.constant 0 : i32
    %dma_start3A_33 = tpu.memref_slice %arg2[%dma_start3A_31, %dma_start3A_32] : memref<10000x64xf32, #tpu.memory_space<hbm>> -> memref<10000x64xf32, #tpu.memory_space<hbm>>
    tpu.enqueue_indirect_dma source(%dma_start3A_33 : memref<10000x64xf32, #tpu.memory_space<hbm>>) target(%arg11 : memref<128x64xf32, #tpu.memory_space<vmem>>) offsets(%dma_start3A_30 : memref<128xi32, #tpu.memory_space<vmem>>) semaphore(%arg16 : memref<!tpu.dma_semaphore, #tpu.memory_space<semaphore_mem>>)
    %dma_wait3A_34 = arith.constant 76 : i32
    %dma_wait3A_35 = arith.constant 0 : i32
    %dma_wait3A_36 = tpu.memref_slice %arg7[%dma_wait3A_34, %dma_wait3A_35] : memref<79x128xi32, #tpu.memory_space<vmem>> -> memref<1x128xi32, #tpu.memory_space<vmem>>
    %dma_wait3A_37 = tpu.memref_squeeze %dma_wait3A_36 : memref<1x128xi32, #tpu.memory_space<vmem>> -> memref<128xi32, #tpu.memory_space<vmem>>
    %dma_wait3A_38 = arith.constant 0 : i32
    %dma_wait3A_39 = arith.constant 0 : i32
    %dma_wait3A_40 = tpu.memref_slice %arg2[%dma_wait3A_38, %dma_wait3A_39] : memref<10000x64xf32, #tpu.memory_space<hbm>> -> memref<10000x64xf32, #tpu.memory_space<hbm>>
    tpu.wait_indirect_dma semaphore(%arg14 : memref<!tpu.dma_semaphore, #tpu.memory_space<semaphore_mem>>) src(%dma_wait3A_40 : memref<10000x64xf32, #tpu.memory_space<hbm>>) dst(%arg9 : memref<128x64xf32, #tpu.memory_space<vmem>>)
    %dma_start3A_41 = arith.constant 76 : i32
    %dma_start3A_42 = arith.constant 0 : i32
    %dma_start3A_43 = tpu.memref_slice %arg8[%dma_start3A_41, %dma_start3A_42] : memref<79x128xi32, #tpu.memory_space<vmem>> -> memref<1x128xi32, #tpu.memory_space<vmem>>
    %dma_start3A_44 = tpu.memref_squeeze %dma_start3A_43 : memref<1x128xi32, #tpu.memory_space<vmem>> -> memref<128xi32, #tpu.memory_space<vmem>>
    %dma_start3A_45 = arith.constant 0 : i32
    %dma_start3A_46 = arith.constant 0 : i32
    %dma_start3A_47 = tpu.memref_slice %arg13[%dma_start3A_45, %dma_start3A_46] : memref<10016x64xf32, #tpu.memory_space<vmem_shared>> -> memref<10016x64xf32, #tpu.memory_space<vmem_shared>>
    tpu.enqueue_indirect_dma source(%arg9 : memref<128x64xf32, #tpu.memory_space<vmem>>) target(%dma_start3A_47 : memref<10016x64xf32, #tpu.memory_space<vmem_shared>>) offsets(%dma_start3A_44 : memref<128xi32, #tpu.memory_space<vmem>>) semaphore(%arg18 : memref<!tpu.dma_semaphore, #tpu.memory_space<semaphore_mem>>) {add = true}
    %dma_wait3A_48 = arith.constant 75 : i32
    %dma_wait3A_49 = arith.constant 0 : i32
    %dma_wait3A_50 = tpu.memref_slice %arg8[%dma_wait3A_48, %dma_wait3A_49] : memref<79x128xi32, #tpu.memory_space<vmem>> -> memref<1x128xi32, #tpu.memory_space<vmem>>
    %dma_wait3A_51 = tpu.memref_squeeze %dma_wait3A_50 : memref<1x128xi32, #tpu.memory_space<vmem>> -> memref<128xi32, #tpu.memory_space<vmem>>
    %dma_wait3A_52 = arith.constant 0 : i32
    %dma_wait3A_53 = arith.constant 0 : i32
    %dma_wait3A_54 = tpu.memref_slice %arg13[%dma_wait3A_52, %dma_wait3A_53] : memref<10016x64xf32, #tpu.memory_space<vmem_shared>> -> memref<10016x64xf32, #tpu.memory_space<vmem_shared>>
    tpu.wait_indirect_dma semaphore(%arg21 : memref<!tpu.dma_semaphore, #tpu.memory_space<semaphore_mem>>) src(%arg12 : memref<128x64xf32, #tpu.memory_space<vmem>>) dst(%dma_wait3A_54 : memref<10016x64xf32, #tpu.memory_space<vmem_shared>>)
    %dma_wait3A_55 = arith.constant 77 : i32
    %dma_wait3A_56 = arith.constant 0 : i32
    %dma_wait3A_57 = tpu.memref_slice %arg7[%dma_wait3A_55, %dma_wait3A_56] : memref<79x128xi32, #tpu.memory_space<vmem>> -> memref<1x128xi32, #tpu.memory_space<vmem>>
    %dma_wait3A_58 = tpu.memref_squeeze %dma_wait3A_57 : memref<1x128xi32, #tpu.memory_space<vmem>> -> memref<128xi32, #tpu.memory_space<vmem>>
    %dma_wait3A_59 = arith.constant 0 : i32
    %dma_wait3A_60 = arith.constant 0 : i32
    %dma_wait3A_61 = tpu.memref_slice %arg2[%dma_wait3A_59, %dma_wait3A_60] : memref<10000x64xf32, #tpu.memory_space<hbm>> -> memref<10000x64xf32, #tpu.memory_space<hbm>>
    tpu.wait_indirect_dma semaphore(%arg15 : memref<!tpu.dma_semaphore, #tpu.memory_space<semaphore_mem>>) src(%dma_wait3A_61 : memref<10000x64xf32, #tpu.memory_space<hbm>>) dst(%arg10 : memref<128x64xf32, #tpu.memory_space<vmem>>)
    %dma_start3A_62 = arith.constant 77 : i32
    %dma_start3A_63 = arith.constant 0 : i32
    %dma_start3A_64 = tpu.memref_slice %arg8[%dma_start3A_62, %dma_start3A_63] : memref<79x128xi32, #tpu.memory_space<vmem>> -> memref<1x128xi32, #tpu.memory_space<vmem>>
    %dma_start3A_65 = tpu.memref_squeeze %dma_start3A_64 : memref<1x128xi32, #tpu.memory_space<vmem>> -> memref<128xi32, #tpu.memory_space<vmem>>
    %dma_start3A_66 = arith.constant 0 : i32
    %dma_start3A_67 = arith.constant 0 : i32
    %dma_start3A_68 = tpu.memref_slice %arg13[%dma_start3A_66, %dma_start3A_67] : memref<10016x64xf32, #tpu.memory_space<vmem_shared>> -> memref<10016x64xf32, #tpu.memory_space<vmem_shared>>
    tpu.enqueue_indirect_dma source(%arg10 : memref<128x64xf32, #tpu.memory_space<vmem>>) target(%dma_start3A_68 : memref<10016x64xf32, #tpu.memory_space<vmem_shared>>) offsets(%dma_start3A_65 : memref<128xi32, #tpu.memory_space<vmem>>) semaphore(%arg19 : memref<!tpu.dma_semaphore, #tpu.memory_space<semaphore_mem>>) {add = true}
    %dma_wait3A_69 = arith.constant 76 : i32
    %dma_wait3A_70 = arith.constant 0 : i32
    %dma_wait3A_71 = tpu.memref_slice %arg8[%dma_wait3A_69, %dma_wait3A_70] : memref<79x128xi32, #tpu.memory_space<vmem>> -> memref<1x128xi32, #tpu.memory_space<vmem>>
    %dma_wait3A_72 = tpu.memref_squeeze %dma_wait3A_71 : memref<1x128xi32, #tpu.memory_space<vmem>> -> memref<128xi32, #tpu.memory_space<vmem>>
    %dma_wait3A_73 = arith.constant 0 : i32
    %dma_wait3A_74 = arith.constant 0 : i32
    %dma_wait3A_75 = tpu.memref_slice %arg13[%dma_wait3A_73, %dma_wait3A_74] : memref<10016x64xf32, #tpu.memory_space<vmem_shared>> -> memref<10016x64xf32, #tpu.memory_space<vmem_shared>>
    tpu.wait_indirect_dma semaphore(%arg18 : memref<!tpu.dma_semaphore, #tpu.memory_space<semaphore_mem>>) src(%arg9 : memref<128x64xf32, #tpu.memory_space<vmem>>) dst(%dma_wait3A_75 : memref<10016x64xf32, #tpu.memory_space<vmem_shared>>)
    %dma_wait3A_76 = arith.constant 78 : i32
    %dma_wait3A_77 = arith.constant 0 : i32
    %dma_wait3A_78 = tpu.memref_slice %arg7[%dma_wait3A_76, %dma_wait3A_77] : memref<79x128xi32, #tpu.memory_space<vmem>> -> memref<1x128xi32, #tpu.memory_space<vmem>>
    %dma_wait3A_79 = tpu.memref_squeeze %dma_wait3A_78 : memref<1x128xi32, #tpu.memory_space<vmem>> -> memref<128xi32, #tpu.memory_space<vmem>>
    %dma_wait3A_80 = arith.constant 0 : i32
    %dma_wait3A_81 = arith.constant 0 : i32
    %dma_wait3A_82 = tpu.memref_slice %arg2[%dma_wait3A_80, %dma_wait3A_81] : memref<10000x64xf32, #tpu.memory_space<hbm>> -> memref<10000x64xf32, #tpu.memory_space<hbm>>
    tpu.wait_indirect_dma semaphore(%arg16 : memref<!tpu.dma_semaphore, #tpu.memory_space<semaphore_mem>>) src(%dma_wait3A_82 : memref<10000x64xf32, #tpu.memory_space<hbm>>) dst(%arg11 : memref<128x64xf32, #tpu.memory_space<vmem>>)
    %dma_start3A_83 = arith.constant 78 : i32
    %dma_start3A_84 = arith.constant 0 : i32
    %dma_start3A_85 = tpu.memref_slice %arg8[%dma_start3A_83, %dma_start3A_84] : memref<79x128xi32, #tpu.memory_space<vmem>> -> memref<1x128xi32, #tpu.memory_space<vmem>>
    %dma_start3A_86 = tpu.memref_squeeze %dma_start3A_85 : memref<1x128xi32, #tpu.memory_space<vmem>> -> memref<128xi32, #tpu.memory_space<vmem>>
    %dma_start3A_87 = arith.constant 0 : i32
    %dma_start3A_88 = arith.constant 0 : i32
    %dma_start3A_89 = tpu.memref_slice %arg13[%dma_start3A_87, %dma_start3A_88] : memref<10016x64xf32, #tpu.memory_space<vmem_shared>> -> memref<10016x64xf32, #tpu.memory_space<vmem_shared>>
    tpu.enqueue_indirect_dma source(%arg11 : memref<128x64xf32, #tpu.memory_space<vmem>>) target(%dma_start3A_89 : memref<10016x64xf32, #tpu.memory_space<vmem_shared>>) offsets(%dma_start3A_86 : memref<128xi32, #tpu.memory_space<vmem>>) semaphore(%arg20 : memref<!tpu.dma_semaphore, #tpu.memory_space<semaphore_mem>>) {add = true}
    %dma_wait3A_90 = arith.constant 77 : i32
    %dma_wait3A_91 = arith.constant 0 : i32
    %dma_wait3A_92 = tpu.memref_slice %arg8[%dma_wait3A_90, %dma_wait3A_91] : memref<79x128xi32, #tpu.memory_space<vmem>> -> memref<1x128xi32, #tpu.memory_space<vmem>>
    %dma_wait3A_93 = tpu.memref_squeeze %dma_wait3A_92 : memref<1x128xi32, #tpu.memory_space<vmem>> -> memref<128xi32, #tpu.memory_space<vmem>>
    %dma_wait3A_94 = arith.constant 0 : i32
    %dma_wait3A_95 = arith.constant 0 : i32
    %dma_wait3A_96 = tpu.memref_slice %arg13[%dma_wait3A_94, %dma_wait3A_95] : memref<10016x64xf32, #tpu.memory_space<vmem_shared>> -> memref<10016x64xf32, #tpu.memory_space<vmem_shared>>
    tpu.wait_indirect_dma semaphore(%arg19 : memref<!tpu.dma_semaphore, #tpu.memory_space<semaphore_mem>>) src(%arg10 : memref<128x64xf32, #tpu.memory_space<vmem>>) dst(%dma_wait3A_96 : memref<10016x64xf32, #tpu.memory_space<vmem_shared>>)
    %dma_wait3A_97 = arith.constant 78 : i32
    %dma_wait3A_98 = arith.constant 0 : i32
    %dma_wait3A_99 = tpu.memref_slice %arg8[%dma_wait3A_97, %dma_wait3A_98] : memref<79x128xi32, #tpu.memory_space<vmem>> -> memref<1x128xi32, #tpu.memory_space<vmem>>
    %dma_wait3A_100 = tpu.memref_squeeze %dma_wait3A_99 : memref<1x128xi32, #tpu.memory_space<vmem>> -> memref<128xi32, #tpu.memory_space<vmem>>
    %dma_wait3A_101 = arith.constant 0 : i32
    %dma_wait3A_102 = arith.constant 0 : i32
    %dma_wait3A_103 = tpu.memref_slice %arg13[%dma_wait3A_101, %dma_wait3A_102] : memref<10016x64xf32, #tpu.memory_space<vmem_shared>> -> memref<10016x64xf32, #tpu.memory_space<vmem_shared>>
    tpu.wait_indirect_dma semaphore(%arg20 : memref<!tpu.dma_semaphore, #tpu.memory_space<semaphore_mem>>) src(%arg11 : memref<128x64xf32, #tpu.memory_space<vmem>>) dst(%dma_wait3A_103 : memref<10016x64xf32, #tpu.memory_space<vmem_shared>>)
    %barrier3A_104 = arith.constant 0 : index
    tpu.barrier barrier_id(%barrier3A_104)
    %eq3A_105 = arith.constant 0 : i32
    %eq3A_106 = arith.cmpi eq, %arg1, %eq3A_105 : i32
    %convert_element_type3A_107 = arith.extui %eq3A_106 : i1 to i32
    %cond3A_108 = arith.constant 0 : i32
    %cond3A_109 = arith.cmpi ne, %convert_element_type3A_107, %cond3A_108 : i32
    scf.if %cond3A_109 {
      "tpu.region"() ({
        %run_scoped3A = tpu.sem_alloc : memref<!tpu.dma_semaphore, #tpu.memory_space<semaphore_mem>>
        %dma_start3A_110 = arith.constant 0 : i32
        %dma_start3A_111 = arith.constant 0 : i32
        %dma_start3A_112 = tpu.memref_slice %arg6[%arg0, %dma_start3A_110, %dma_start3A_111] : memref<2x10016x64xf32, #tpu.memory_space<hbm>> -> memref<1x10016x64xf32, #tpu.memory_space<hbm>>
        %dma_start3A_113 = tpu.memref_squeeze %dma_start3A_112 : memref<1x10016x64xf32, #tpu.memory_space<hbm>> -> memref<10016x64xf32, #tpu.memory_space<hbm>>
        tpu.enqueue_dma source(%arg13 : memref<10016x64xf32, #tpu.memory_space<vmem_shared>>) target(%dma_start3A_113 : memref<10016x64xf32, #tpu.memory_space<hbm>>) target_semaphore(%run_scoped3A : memref<!tpu.dma_semaphore, #tpu.memory_space<semaphore_mem>>)
        %dma_wait3A_114 = arith.constant 0 : i32
        %dma_wait3A_115 = arith.constant 0 : i32
        %dma_wait3A_116 = tpu.memref_slice %arg6[%arg0, %dma_wait3A_114, %dma_wait3A_115] : memref<2x10016x64xf32, #tpu.memory_space<hbm>> -> memref<1x10016x64xf32, #tpu.memory_space<hbm>>
        %dma_wait3A_117 = tpu.memref_squeeze %dma_wait3A_116 : memref<1x10016x64xf32, #tpu.memory_space<hbm>> -> memref<10016x64xf32, #tpu.memory_space<hbm>>
        tpu.wait_dma2 semaphore(%run_scoped3A : memref<!tpu.dma_semaphore, #tpu.memory_space<semaphore_mem>>) src(%arg13 : memref<10016x64xf32, #tpu.memory_space<vmem_shared>>) dst(%dma_wait3A_117 : memref<10016x64xf32, #tpu.memory_space<hbm>>)
        tpu.yield
      }) : () -> ()
    } else {
    }
    return
  }
}

module attributes {stable_mosaic.version = 14 : i64} {
  func.func @body(%arg0: i32, %arg1: memref<2000x128xf32, #tpu.memory_space<vmem>>, %arg2: memref<128x64xf32, #tpu.memory_space<vmem>>, %arg3: memref<2x2000x16xf32, #tpu.memory_space<vmem>>, %arg4: memref<2000x64xf32, #tpu.memory_space<vmem>>, %arg5: memref<2000x64xf32, #tpu.memory_space<vmem>>, %arg6: memref<2000x1xf32, #tpu.memory_space<vmem>>) attributes {dimension_semantics = [#tpu.dimension_semantics<arbitrary>], iteration_bounds = array<i64: 5>, scalar_prefetch = 0 : i64, scratch_operands = 0 : i64, tpu.core_type = #tpu.core_type<tc>, window_params = [{transform_indices = @transform_0, window_bounds = array<i64: 2000, 128>}, {pipeline_mode = #tpu.pipeline_mode<synchronous>, transform_indices = @transform_1, window_bounds = array<i64: 128, 64>}, {transform_indices = @transform_2, window_bounds = array<i64: 2, 2000, 16>}, {transform_indices = @transform_3, window_bounds = array<i64: 2000, 64>}, {transform_indices = @transform_4, window_bounds = array<i64: 2000, 64>}, {transform_indices = @transform_5, window_bounds = array<i64: 2000, 1>}]} {
    %get3A = arith.constant 0 : index
    %get3A_0 = arith.constant 0 : index
    %get3A_1 = arith.constant 0 : index
    %get3A_2 = vector.load %arg3[%get3A, %get3A_0, %get3A_1] : memref<2x2000x16xf32, #tpu.memory_space<vmem>>, vector<1x2000x16xf32>
    %get3A_3 = vector.shape_cast %get3A_2 : vector<1x2000x16xf32> to vector<2000x16xf32>
    %slice3A = vector.extract_strided_slice %get3A_3 {offsets = [0, 0], sizes = [2000, 1], strides = [1, 1]} : vector<2000x16xf32> to vector<2000x1xf32>
    %get3A_4 = arith.constant 1 : index
    %get3A_5 = arith.constant 0 : index
    %get3A_6 = arith.constant 0 : index
    %get3A_7 = vector.load %arg3[%get3A_4, %get3A_5, %get3A_6] : memref<2x2000x16xf32, #tpu.memory_space<vmem>>, vector<1x2000x16xf32>
    %get3A_8 = vector.shape_cast %get3A_7 : vector<1x2000x16xf32> to vector<2000x16xf32>
    %slice3A_9 = vector.extract_strided_slice %get3A_8 {offsets = [0, 0], sizes = [2000, 1], strides = [1, 1]} : vector<2000x16xf32> to vector<2000x1xf32>
    %add3A = arith.addf %slice3A, %slice3A_9 : vector<2000x1xf32>
    %add3A_10 = arith.constant 1.000000e+00 : f32
    %add3A_11 = vector.broadcast %add3A_10 : f32 to vector<2000x1xf32>
    %add3A_12 = arith.addf %add3A, %add3A_11 : vector<2000x1xf32>
    %rsqrt3A = math.rsqrt %add3A_12 : vector<2000x1xf32>
    %get3A_13 = arith.constant 0 : index
    %get3A_14 = arith.constant 0 : index
    %get3A_15 = vector.load %arg1[%get3A_13, %get3A_14] : memref<2000x128xf32, #tpu.memory_space<vmem>>, vector<2000x128xf32>
    %get3A_16 = arith.constant 0 : index
    %get3A_17 = arith.constant 0 : index
    %get3A_18 = vector.load %arg2[%get3A_16, %get3A_17] : memref<128x64xf32, #tpu.memory_space<vmem>>, vector<128x64xf32>
    %dot_general3A = arith.constant dense<0.000000e+00> : vector<2000x64xf32>
    %dot_general3A_19 = tpu.matmul %get3A_15, %get3A_18, %dot_general3A {dimension_numbers = #tpu.dot_dimension_numbers<[1], [0], [0], [1], [0, 0, 1, 1], [], []>, transpose_lhs_hint = false} : vector<2000x128xf32>, vector<128x64xf32>, vector<2000x64xf32> -> vector<2000x64xf32>
    %swap3A = arith.constant 0 : index
    %swap3A_20 = arith.constant 0 : index
    %swap3A_21 = vector.load %arg4[%swap3A, %swap3A_20] : memref<2000x64xf32, #tpu.memory_space<vmem>>, vector<2000x64xf32>
    tpu.vector_store %arg4[%swap3A, %swap3A_20], %dot_general3A_19 {strides = array<i32>} : memref<2000x64xf32, #tpu.memory_space<vmem>>, vector<2000x64xf32>,
    %mul3A = vector.broadcast %rsqrt3A : vector<2000x1xf32> to vector<2000x64xf32>
    %mul3A_22 = arith.mulf %mul3A, %dot_general3A_19 : vector<2000x64xf32>
    %swap3A_23 = arith.constant 0 : index
    %swap3A_24 = arith.constant 0 : index
    %swap3A_25 = vector.load %arg5[%swap3A_23, %swap3A_24] : memref<2000x64xf32, #tpu.memory_space<vmem>>, vector<2000x64xf32>
    tpu.vector_store %arg5[%swap3A_23, %swap3A_24], %mul3A_22 {strides = array<i32>} : memref<2000x64xf32, #tpu.memory_space<vmem>>, vector<2000x64xf32>,
    %swap3A_26 = arith.constant 0 : index
    %swap3A_27 = arith.constant 0 : index
    %swap3A_28 = vector.load %arg6[%swap3A_26, %swap3A_27] : memref<2000x1xf32, #tpu.memory_space<vmem>>, vector<2000x1xf32>
    tpu.vector_store %arg6[%swap3A_26, %swap3A_27], %rsqrt3A {strides = array<i32>} : memref<2000x1xf32, #tpu.memory_space<vmem>>, vector<2000x1xf32>,
    return
  }
  func.func @transform_0(%arg0: i32) -> (i32, i32) {
    %c0_i32 = arith.constant 0 : i32
    %c0_i32_0 = arith.constant 0 : i32
    return %arg0, %c0_i32 : i32, i32
  }
  func.func @transform_1(%arg0: i32) -> (i32, i32) {
    %c0_i32 = arith.constant 0 : i32
    %c0_i32_0 = arith.constant 0 : i32
    %c0_i32_1 = arith.constant 0 : i32
    return %c0_i32, %c0_i32_0 : i32, i32
  }
  func.func @transform_2(%arg0: i32) -> (i32, i32, i32) {
    %c0_i32 = arith.constant 0 : i32
    %c0_i32_0 = arith.constant 0 : i32
    %c0_i32_1 = arith.constant 0 : i32
    return %c0_i32, %arg0, %c0_i32_0 : i32, i32, i32
  }
  func.func @transform_3(%arg0: i32) -> (i32, i32) {
    %c0_i32 = arith.constant 0 : i32
    %c0_i32_0 = arith.constant 0 : i32
    return %arg0, %c0_i32 : i32, i32
  }
  func.func @transform_4(%arg0: i32) -> (i32, i32) {
    %c0_i32 = arith.constant 0 : i32
    %c0_i32_0 = arith.constant 0 : i32
    return %arg0, %c0_i32 : i32, i32
  }
  func.func @transform_5(%arg0: i32) -> (i32, i32) {
    %c0_i32 = arith.constant 0 : i32
    %c0_i32_0 = arith.constant 0 : i32
    return %arg0, %c0_i32 : i32, i32
  }
}

module attributes {stable_mosaic.version = 14 : i64} {
  func.func @body(%arg0: i32, %arg1: memref<2x2000x64xf32, #tpu.memory_space<vmem>>, %arg2: memref<2000x64xf32, #tpu.memory_space<vmem>>, %arg3: memref<2000x1xf32, #tpu.memory_space<vmem>>, %arg4: memref<1x64xf32, #tpu.memory_space<vmem>>, %arg5: memref<64x32xf32, #tpu.memory_space<vmem>>, %arg6: memref<2000x32xf32, #tpu.memory_space<vmem>>, %arg7: memref<2000x32xf32, #tpu.memory_space<vmem>>) attributes {dimension_semantics = [#tpu.dimension_semantics<arbitrary>], iteration_bounds = array<i64: 5>, scalar_prefetch = 0 : i64, scratch_operands = 0 : i64, tpu.core_type = #tpu.core_type<tc>, window_params = [{transform_indices = @transform_0, window_bounds = array<i64: 2, 2000, 64>}, {transform_indices = @transform_1, window_bounds = array<i64: 2000, 64>}, {transform_indices = @transform_2, window_bounds = array<i64: 2000, 1>}, {pipeline_mode = #tpu.pipeline_mode<synchronous>, transform_indices = @transform_3, window_bounds = array<i64: 1, 64>}, {pipeline_mode = #tpu.pipeline_mode<synchronous>, transform_indices = @transform_4, window_bounds = array<i64: 64, 32>}, {transform_indices = @transform_5, window_bounds = array<i64: 2000, 32>}, {transform_indices = @transform_6, window_bounds = array<i64: 2000, 32>}]} {
    %get3A = arith.constant 0 : index
    %get3A_0 = arith.constant 0 : index
    %get3A_1 = vector.load %arg3[%get3A, %get3A_0] : memref<2000x1xf32, #tpu.memory_space<vmem>>, vector<2000x1xf32>
    %get3A_2 = arith.constant 0 : index
    %get3A_3 = arith.constant 0 : index
    %get3A_4 = arith.constant 0 : index
    %get3A_5 = vector.load %arg1[%get3A_2, %get3A_3, %get3A_4] : memref<2x2000x64xf32, #tpu.memory_space<vmem>>, vector<1x2000x64xf32>
    %get3A_6 = vector.shape_cast %get3A_5 : vector<1x2000x64xf32> to vector<2000x64xf32>
    %get3A_7 = arith.constant 1 : index
    %get3A_8 = arith.constant 0 : index
    %get3A_9 = arith.constant 0 : index
    %get3A_10 = vector.load %arg1[%get3A_7, %get3A_8, %get3A_9] : memref<2x2000x64xf32, #tpu.memory_space<vmem>>, vector<1x2000x64xf32>
    %get3A_11 = vector.shape_cast %get3A_10 : vector<1x2000x64xf32> to vector<2000x64xf32>
    %add3A = arith.addf %get3A_6, %get3A_11 : vector<2000x64xf32>
    %mul3A = vector.broadcast %get3A_1 : vector<2000x1xf32> to vector<2000x64xf32>
    %mul3A_12 = arith.mulf %mul3A, %add3A : vector<2000x64xf32>
    %mul3A_13 = arith.mulf %get3A_1, %get3A_1 : vector<2000x1xf32>
    %get3A_14 = arith.constant 0 : index
    %get3A_15 = arith.constant 0 : index
    %get3A_16 = vector.load %arg2[%get3A_14, %get3A_15] : memref<2000x64xf32, #tpu.memory_space<vmem>>, vector<2000x64xf32>
    %mul3A_17 = vector.broadcast %mul3A_13 : vector<2000x1xf32> to vector<2000x64xf32>
    %mul3A_18 = arith.mulf %mul3A_17, %get3A_16 : vector<2000x64xf32>
    %add3A_19 = arith.addf %mul3A_12, %mul3A_18 : vector<2000x64xf32>
    %get3A_20 = arith.constant 0 : index
    %get3A_21 = arith.constant 0 : index
    %get3A_22 = vector.load %arg4[%get3A_20, %get3A_21] : memref<1x64xf32, #tpu.memory_space<vmem>>, vector<1x64xf32>
    %add3A_23 = vector.broadcast %get3A_22 : vector<1x64xf32> to vector<2000x64xf32>
    %add3A_24 = arith.addf %add3A_19, %add3A_23 : vector<2000x64xf32>
    %max3A = arith.constant 0.000000e+00 : f32
    %max3A_25 = vector.broadcast %max3A : f32 to vector<2000x64xf32>
    %max3A_26 = arith.maximumf %add3A_24, %max3A_25 : vector<2000x64xf32>
    %get3A_27 = arith.constant 0 : index
    %get3A_28 = arith.constant 0 : index
    %get3A_29 = vector.load %arg5[%get3A_27, %get3A_28] : memref<64x32xf32, #tpu.memory_space<vmem>>, vector<64x32xf32>
    %dot_general3A = arith.constant dense<0.000000e+00> : vector<2000x32xf32>
    %dot_general3A_30 = tpu.matmul %max3A_26, %get3A_29, %dot_general3A {dimension_numbers = #tpu.dot_dimension_numbers<[1], [0], [0], [1], [0, 0, 1, 1], [], []>, transpose_lhs_hint = false} : vector<2000x64xf32>, vector<64x32xf32>, vector<2000x32xf32> -> vector<2000x32xf32>
    %swap3A = arith.constant 0 : index
    %swap3A_31 = arith.constant 0 : index
    %swap3A_32 = vector.load %arg6[%swap3A, %swap3A_31] : memref<2000x32xf32, #tpu.memory_space<vmem>>, vector<2000x32xf32>
    tpu.vector_store %arg6[%swap3A, %swap3A_31], %dot_general3A_30 {strides = array<i32>} : memref<2000x32xf32, #tpu.memory_space<vmem>>, vector<2000x32xf32>,
    %mul3A_33 = vector.broadcast %get3A_1 : vector<2000x1xf32> to vector<2000x32xf32>
    %mul3A_34 = arith.mulf %mul3A_33, %dot_general3A_30 : vector<2000x32xf32>
    %swap3A_35 = arith.constant 0 : index
    %swap3A_36 = arith.constant 0 : index
    %swap3A_37 = vector.load %arg7[%swap3A_35, %swap3A_36] : memref<2000x32xf32, #tpu.memory_space<vmem>>, vector<2000x32xf32>
    tpu.vector_store %arg7[%swap3A_35, %swap3A_36], %mul3A_34 {strides = array<i32>} : memref<2000x32xf32, #tpu.memory_space<vmem>>, vector<2000x32xf32>,
    return
  }
  func.func @transform_0(%arg0: i32) -> (i32, i32, i32) {
    %c0_i32 = arith.constant 0 : i32
    %c0_i32_0 = arith.constant 0 : i32
    %c0_i32_1 = arith.constant 0 : i32
    return %c0_i32, %arg0, %c0_i32_0 : i32, i32, i32
  }
  func.func @transform_1(%arg0: i32) -> (i32, i32) {
    %c0_i32 = arith.constant 0 : i32
    %c0_i32_0 = arith.constant 0 : i32
    return %arg0, %c0_i32 : i32, i32
  }
  func.func @transform_2(%arg0: i32) -> (i32, i32) {
    %c0_i32 = arith.constant 0 : i32
    %c0_i32_0 = arith.constant 0 : i32
    return %arg0, %c0_i32 : i32, i32
  }
  func.func @transform_3(%arg0: i32) -> (i32, i32) {
    %c0_i32 = arith.constant 0 : i32
    %c0_i32_0 = arith.constant 0 : i32
    %c0_i32_1 = arith.constant 0 : i32
    return %c0_i32, %c0_i32_0 : i32, i32
  }
  func.func @transform_4(%arg0: i32) -> (i32, i32) {
    %c0_i32 = arith.constant 0 : i32
    %c0_i32_0 = arith.constant 0 : i32
    %c0_i32_1 = arith.constant 0 : i32
    return %c0_i32, %c0_i32_0 : i32, i32
  }
  func.func @transform_5(%arg0: i32) -> (i32, i32) {
    %c0_i32 = arith.constant 0 : i32
    %c0_i32_0 = arith.constant 0 : i32
    return %arg0, %c0_i32 : i32, i32
  }
  func.func @transform_6(%arg0: i32) -> (i32, i32) {
    %c0_i32 = arith.constant 0 : i32
    %c0_i32_0 = arith.constant 0 : i32
    return %arg0, %c0_i32 : i32, i32
  }
}

module attributes {stable_mosaic.version = 14 : i64} {
  func.func @body(%arg0: i32, %arg1: memref<2x2000x32xf32, #tpu.memory_space<vmem>>, %arg2: memref<2000x32xf32, #tpu.memory_space<vmem>>, %arg3: memref<2000x1xf32, #tpu.memory_space<vmem>>, %arg4: memref<1x32xf32, #tpu.memory_space<vmem>>, %arg5: memref<2000x32xf32, #tpu.memory_space<vmem>>) attributes {dimension_semantics = [#tpu.dimension_semantics<arbitrary>], iteration_bounds = array<i64: 5>, scalar_prefetch = 0 : i64, scratch_operands = 0 : i64, tpu.core_type = #tpu.core_type<tc>, window_params = [{transform_indices = @transform_0, window_bounds = array<i64: 2, 2000, 32>}, {transform_indices = @transform_1, window_bounds = array<i64: 2000, 32>}, {transform_indices = @transform_2, window_bounds = array<i64: 2000, 1>}, {pipeline_mode = #tpu.pipeline_mode<synchronous>, transform_indices = @transform_3, window_bounds = array<i64: 1, 32>}, {transform_indices = @transform_4, window_bounds = array<i64: 2000, 32>}]} {
    %get3A = arith.constant 0 : index
    %get3A_0 = arith.constant 0 : index
    %get3A_1 = vector.load %arg3[%get3A, %get3A_0] : memref<2000x1xf32, #tpu.memory_space<vmem>>, vector<2000x1xf32>
    %get3A_2 = arith.constant 0 : index
    %get3A_3 = arith.constant 0 : index
    %get3A_4 = arith.constant 0 : index
    %get3A_5 = vector.load %arg1[%get3A_2, %get3A_3, %get3A_4] : memref<2x2000x32xf32, #tpu.memory_space<vmem>>, vector<1x2000x32xf32>
    %get3A_6 = vector.shape_cast %get3A_5 : vector<1x2000x32xf32> to vector<2000x32xf32>
    %get3A_7 = arith.constant 1 : index
    %get3A_8 = arith.constant 0 : index
    %get3A_9 = arith.constant 0 : index
    %get3A_10 = vector.load %arg1[%get3A_7, %get3A_8, %get3A_9] : memref<2x2000x32xf32, #tpu.memory_space<vmem>>, vector<1x2000x32xf32>
    %get3A_11 = vector.shape_cast %get3A_10 : vector<1x2000x32xf32> to vector<2000x32xf32>
    %add3A = arith.addf %get3A_6, %get3A_11 : vector<2000x32xf32>
    %mul3A = vector.broadcast %get3A_1 : vector<2000x1xf32> to vector<2000x32xf32>
    %mul3A_12 = arith.mulf %mul3A, %add3A : vector<2000x32xf32>
    %mul3A_13 = arith.mulf %get3A_1, %get3A_1 : vector<2000x1xf32>
    %get3A_14 = arith.constant 0 : index
    %get3A_15 = arith.constant 0 : index
    %get3A_16 = vector.load %arg2[%get3A_14, %get3A_15] : memref<2000x32xf32, #tpu.memory_space<vmem>>, vector<2000x32xf32>
    %mul3A_17 = vector.broadcast %mul3A_13 : vector<2000x1xf32> to vector<2000x32xf32>
    %mul3A_18 = arith.mulf %mul3A_17, %get3A_16 : vector<2000x32xf32>
    %add3A_19 = arith.addf %mul3A_12, %mul3A_18 : vector<2000x32xf32>
    %get3A_20 = arith.constant 0 : index
    %get3A_21 = arith.constant 0 : index
    %get3A_22 = vector.load %arg4[%get3A_20, %get3A_21] : memref<1x32xf32, #tpu.memory_space<vmem>>, vector<1x32xf32>
    %add3A_23 = vector.broadcast %get3A_22 : vector<1x32xf32> to vector<2000x32xf32>
    %add3A_24 = arith.addf %add3A_19, %add3A_23 : vector<2000x32xf32>
    %swap3A = arith.constant 0 : index
    %swap3A_25 = arith.constant 0 : index
    %swap3A_26 = vector.load %arg5[%swap3A, %swap3A_25] : memref<2000x32xf32, #tpu.memory_space<vmem>>, vector<2000x32xf32>
    tpu.vector_store %arg5[%swap3A, %swap3A_25], %add3A_24 {strides = array<i32>} : memref<2000x32xf32, #tpu.memory_space<vmem>>, vector<2000x32xf32>,
    return
  }
  func.func @transform_0(%arg0: i32) -> (i32, i32, i32) {
    %c0_i32 = arith.constant 0 : i32
    %c0_i32_0 = arith.constant 0 : i32
    %c0_i32_1 = arith.constant 0 : i32
    return %c0_i32, %arg0, %c0_i32_0 : i32, i32, i32
  }
  func.func @transform_1(%arg0: i32) -> (i32, i32) {
    %c0_i32 = arith.constant 0 : i32
    %c0_i32_0 = arith.constant 0 : i32
    return %arg0, %c0_i32 : i32, i32
  }
  func.func @transform_2(%arg0: i32) -> (i32, i32) {
    %c0_i32 = arith.constant 0 : i32
    %c0_i32_0 = arith.constant 0 : i32
    return %arg0, %c0_i32 : i32, i32
  }
  func.func @transform_3(%arg0: i32) -> (i32, i32) {
    %c0_i32 = arith.constant 0 : i32
    %c0_i32_0 = arith.constant 0 : i32
    %c0_i32_1 = arith.constant 0 : i32
    return %c0_i32, %c0_i32_0 : i32, i32
  }
  func.func @transform_4(%arg0: i32) -> (i32, i32) {
    %c0_i32 = arith.constant 0 : i32
    %c0_i32_0 = arith.constant 0 : i32
    return %arg0, %c0_i32 : i32, i32
  }
}

</mosaic_0001>

<sc_bundles>
// kernel: kernel.11.cloned.1.call-start
scs
__scs_entry_jumppad:
0x0: {  	(pc) =	sbr.rel $0x88, $3  }
0x1: {  	(tag) =	ssettag $0x0;
	lr =	simm.s32 $0x1  }
0x2: {  	[smem:$0x3F9B] =	sst lr;
	_ =	strace $0xD0000000  }
0x3: {  	_ = 	snop  }
0x4: {  	_ = 	snop  }
0x5: {  	_ = 	snop  }
0x6: {  	_ = 	snop  }
0x7: {  	_ = 	snop  }
__scs_overlays_trampoline_lowered:
0x8: {  	[smem:$0x3FAA] =	sst s0  }
0x9: {  	[smem:$0x3FAB] =	sst s1  }
0xa: {  	[smem:$0x3FAC] =	sst s2  }
0xb: {  	[smem:$0x3FAD] =	sst s3  }
0xc: {  	[smem:$0x3FAE] =	sst s4  }
0xd: {  	[smem:$0x3FAF] =	sst s5  }
0xe: {  	[smem:$0x3FB0] =	sst s6  }
0xf: {  	[smem:$0x3FB1] =	sst s7  }
0x10: {  	[smem:$0x3FB2] =	sst s8  }
0x11: {  	[smem:$0x3FB3] =	sst s9;
	s0 =	simm.s32 @!p0 $0x0  }
0x12: {  	s1 =	sld [smem:$0x3F99];
	s0 =	simm.s32 @p0 $0x1  }
0x13: {  	[smem:$0x3FB4] =	sst s0;
	s0 =	simm.s32 @!p1 $0x0  }
0x14: {  	s2 =	sld [smem:$0x3F98];
	s0 =	simm.s32 @p1 $0x1  }
0x15: {  	[smem:$0x3FB5] =	sst s0;
	s0 =	simm.s32 @!p2 $0x0  }
0x16: {  	s3 =	sld [smem:$0x3FDB];
	s0 =	simm.s32 @p2 $0x1  }
0x17: {  	s4 =	simm.s32 $0x1BF5;
	[smem:$0x3FB7] =	sst s0  }
0x18: {  	s0 =	sld [smem:$0x3F9A];
	_ =	swait.ge [sflag:s4], $0x0  }
0x19: {  	s7 =	sld [smem:$0x3F9B]  }
0x1a: {  	s8 =	sadd.s32 $0xFFFFE003, lr  }
0x1b: {  	s9 =	sadd.s32 $0xFFFFFEF7, lr;
	s5 =	simm.s32 $0xFFFFFFFF;
	p2 =	slt.u32 s8, $0xFFFFF086  }
0x1c: {  	p1 =	slt.u32 s9, $0xF7A;
	s5 =	simm.s32 @!p2 $0x0  }
0x1d: {  	s5 =	simm.s32 @p1 $0x1;
	p0 =	seq.s32 s7, s2  }
0x1e: {  	s7 =	smul.u32 @!p0 $0xF7A, s2;
	p2 =	seq.s32 @!p0 s5, $0x0  }
0x1f: {  	s9 =	smul.u32 $0xF7A, s1;
	s8 =	simm.s32 @!p0 $0x1BF5;
	p2 =	por !p2, p0  }
0x20: {  	[sflag:s8] =	ssyncset.s32 @!p0 $0xFFFFF086;
	s6 =	sadd.s32 @!p0 s3, s7;
	s7 =	simm.s32 @!p0 $0x108  }
0x21: {  	s3 =	sadd.s32 s3, s9;
	s6 =	sadd.s32 @!p0 $0x88, s6;
	s7 =	simm.s32 @p2 $0x1082  }
0x22: {  	[simem:s7], [sflag:s8] =	dma.local @!p0 [hbm:s6], $0xF7A  }
0x23: {  	s9 =	sor.u32 $0xD0000000, s2;
	s6 =	simm.s32 $0x108;
	_ =	swait.ge @!p0 [sflag:s8], $0x0  }
0x24: {  	s3 =	sadd.s32 $0x88, s3;
	s6 =	simm.s32 @!p1 $0x1082;
	[sflag:s4] =	ssyncset.s32 $0xFFFFF086  }
0x25: {  	[simem:s6], [sflag:s4] =	dma.local [hbm:s3], $0xF7A  }
0x26: {  	[smem:$0x3F9B] =	sst s1;
	(tag) =	ssettag s2;
	_ =	strace s9  }
0x27: {  	s1 =	sld [smem:$0x3FAB]  }
0x28: {  	s2 =	sld [smem:$0x3FAC]  }
0x29: {  	s4 =	sld [smem:$0x3FAE]  }
0x2a: {  	p0 =	seq.s32 s5, $0x0;
	s5 =	sld [smem:$0x3FAF]  }
0x2b: {  	s6 =	sld [smem:$0x3FB0]  }
0x2c: {  	s7 =	sld [smem:$0x3FB1]  }
0x2d: {  	s3 =	simm.s32 $0x108;
	s8 =	sld [smem:$0x3FB2]  }
0x2e: {  	s3 =	simm.s32 @!p0 $0x1082;
	s9 =	sld [smem:$0x3FB3]  }
0x2f: {  	lr =	sadd.s32 s0, s3;
	s0 =	sld [smem:$0x3FAA]  }
0x30: {  	s3 =	sld [smem:$0x3FAD]  }
0x31: {  	[smem:$0x3FB6] =	sst s10  }
0x32: {  	s10 =	sld [smem:$0x3FB4];
	_ =	sdelay $0x3  }
0x33: {  	p0 =	seq.s32 s10, $0x1;
	s10 =	sld [smem:$0x3FB6];
	_ =	sdelay $0x3  }
0x34: {  	[smem:$0x3FB6] =	sst s10  }
0x35: {  	s10 =	sld [smem:$0x3FB5];
	_ =	sdelay $0x3  }
0x36: {  	p1 =	seq.s32 s10, $0x1;
	s10 =	sld [smem:$0x3FB6];
	_ =	sdelay $0x3  }
0x37: {  	[smem:$0x3FB6] =	sst s10  }
0x38: {  	s10 =	sld [smem:$0x3FB7]  }
0x39: {  	_ = 	snop;
	(pc) =	sbr.ind lr, $3  }
0x3a: {  	_ = 	snop  }
0x3b: {  	_ = 	snop  }
0x3c: {  	p2 =	seq.s32 s10, $0x1;
	s10 =	sld [smem:$0x3FB6]  }
0x3d: {  	_ =	shalt  }
0x3e: {  	_ =	shalt  }
0x3f: {  	_ =	shalt  }
0x40: {  	_ =	shalt  }
0x41: {  	_ =	shalt  }
0x42: {  	_ =	shalt  }
0x43: {  	_ =	shalt  }
0x44: {  	_ =	shalt  }
0x45: {  	_ =	shalt  }
0x46: {  	_ =	shalt  }
0x47: {  	_ =	shalt  }
0x48: {  	_ =	shalt  }
0x49: {  	_ =	shalt  }
0x4a: {  	_ =	shalt  }
0x4b: {  	_ =	shalt  }
0x4c: {  	_ =	shalt  }
0x4d: {  	_ =	shalt  }
0x4e: {  	_ =	shalt  }
0x4f: {  	_ =	shalt  }
0x50: {  	_ =	shalt  }
0x51: {  	_ =	shalt  }
0x52: {  	_ =	shalt  }
0x53: {  	_ =	shalt  }
0x54: {  	_ =	shalt  }
0x55: {  	_ =	shalt  }
0x56: {  	_ =	shalt  }
0x57: {  	_ =	shalt  }
0x58: {  	_ =	shalt  }
0x59: {  	_ =	shalt  }
0x5a: {  	_ =	shalt  }
0x5b: {  	_ =	shalt  }
0x5c: {  	_ =	shalt  }
0x5d: {  	_ =	shalt  }
0x5e: {  	_ =	shalt  }
0x5f: {  	_ =	shalt  }
0x60: {  	_ =	shalt  }
0x61: {  	_ =	shalt  }
0x62: {  	_ =	shalt  }
0x63: {  	_ =	shalt  }
0x64: {  	_ =	shalt  }
0x65: {  	_ =	shalt  }
0x66: {  	_ =	shalt  }
0x67: {  	_ =	shalt  }
0x68: {  	_ =	shalt  }
0x69: {  	_ =	shalt  }
0x6a: {  	_ =	shalt  }
0x6b: {  	_ =	shalt  }
0x6c: {  	_ =	shalt  }
0x6d: {  	_ =	shalt  }
0x6e: {  	_ =	shalt  }
0x6f: {  	_ =	shalt  }
0x70: {  	_ =	shalt  }
0x71: {  	_ =	shalt  }
0x72: {  	_ =	shalt  }
0x73: {  	_ =	shalt  }
0x74: {  	_ =	shalt  }
0x75: {  	_ =	shalt  }
0x76: {  	_ =	shalt  }
0x77: {  	_ =	shalt  }
0x78: {  	_ =	shalt  }
0x79: {  	_ =	shalt  }
0x7a: {  	_ =	shalt  }
0x7b: {  	_ =	shalt  }
0x7c: {  	_ =	shalt  }
0x7d: {  	_ =	shalt  }
0x7e: {  	_ =	shalt  }
0x7f: {  	_ =	shalt  }
0x80: {  	_ =	shalt  }
0x81: {  	_ =	shalt  }
0x82: {  	_ =	shalt  }
0x83: {  	_ =	shalt  }
0x84: {  	_ =	shalt  }
0x85: {  	_ =	shalt  }
0x86: {  	_ =	shalt  }
0x87: {  	_ =	shalt  }
.Lfunc_end0:
.L_simem_size_0:
called_computation.1_lowered:
.L_overlay_start_0:
0x88: {  	s2 =	sld [smem:$0x3FD9]  }
0x89: {  	s3 =	sld [smem:$0x3FFE];
	_ =	sdelay $0x1  }
0x8a: {  	s1 =	srdreg.scid  }
0x8b: {  	s0 =	sand.u32 $0x1, s1  }
0x8c: {  	s17 =	sshll.u32 s0, $0xA;
	s2 =	sadd.s32 s3, s2  }
0x8d: {  	s2 =	sadd.s32 s2, s17  }
0x8e: {  	[smem:$0x3FC2] =	sst s2  }
0x8f: {  	_ = 	snop  }
0x90: {  	s2 =	sld [smem:$0x3FD0];
	(tm) =	ssettm $0x1  }
0x91: {  	s18 =	sld [smem:$0x3FFB];
	_ =	sdelay $0x3  }
0x92: {  	_ =	strace s18  }
0x93: {  	s3 =	sld [smem:$0x3FFC];
	_ =	sdelay $0x3  }
0x94: {  	_ =	strace s3  }
0x95: {  	s3 =	sld [smem:$0x3FFD];
	_ =	sdelay $0x3  }
0x96: {  	_ =	strace s3  }
0x97: {  	_ =	strace $0x8FFFFFFF  }
0x98: {  	s19 =	sld [smem:$0x3FDB];
	_ =	sdelay $0x1  }
0x99: {  	s4 =	simm.s32 $_scs_section_size  }
0x9a: {  	s5 =	simm.s32 $_size__tile_overlayer_lowered;
	s6 =	simm.s32 $_tile_overlayer_lowered  }
0x9b: {  	s22 =	simm.s32 $0x1BFF;
	s21 =	sshll.u32 s6, $0x1;
	s3 =	sadd.s32 s4, s19  }
0x9c: {  	s7 =	simm.s32 $0x0;
	s20 =	sshll.u32 s5, $0x1;
	s5 =	sadd.s32 s21, s3  }
0x9d: {  	[timem:s7], [sflag:s22] =	dma.local [hbm:s5], s20  }
0x9e: {  	_ =	swait.ge [sflag:s22], s20  }
0x9f: {  	s4 =	ssub.s32 $0x0, s20;
	[sflag:s22] =	ssyncset.done $0x0  }
0xa0: {  	[sflag:s22] =	ssyncadd.s32 s4;
	_ =	sdelay $0x1  }
0xa1: {  	s23 =	simm.s32 $0x1B8B  }
0xa2: {  	_ =	swait.ge [sflag:s23], $0x1  }
0xa3: {  	[sflag:s23] =	ssyncset.done $0x0  }
0xa4: {  	s25 =	simm.s32 $0x1B8E;
	s24 =	sld [smem:$0x3FFE];
	[sflag:s23] =	ssyncadd.s32 $0xFFFFFFFF  }
0xa5: {  	s26 =	simm.s32 $execute0_lowered;
	[smem:$0x3FD2] =	sst s25  }
0xa6: {  	s5 =	sshll.u32 s26, $0x1;
	_ =	strace $0x80000049;
	[dreg:$0x1] =	wrdreg $0xFFFFFFFF  }
0xa7: {  	s28 =	simm.s32 $_size_execute0_lowered;
	s3 =	sadd.s32 s3, s5;
	[dreg:$0x0] =	wrdreg $0x0  }
0xa8: {  	s5 =	sshll.u32 s28, $0x1;
	[dreg:$0x2] =	wrdreg s3  }
0xa9: {  	[dreg:$0x3] =	wrdreg s5  }
0xaa: {  	[dreg:$0x4] =	wrdreg $0xC0  }
0xab: {  	_ =	task [dreg:s7], $0x5FFFF  }
0xac: {  	[dreg:$0x1] =	wrdreg $0xFFFFFFFF  }
0xad: {  	[dreg:$0x0] =	wrdreg $0x60  }
0xae: {  	[dreg:$0x2] =	wrdreg s24  }
0xaf: {  	[dreg:$0x3] =	wrdreg s2  }
0xb0: {  	[dreg:$0x4] =	wrdreg $0xCF000  }
0xb1: {  	[dreg:$0x5] =	wrdreg $0x9  }
0xb2: {  	_ =	task.clear_ibuf [dreg:s7], $0x6FFFF;
	_ =	strace $0x90000049  }
0xb3: {  	s29 =	simm.s32 $0x9;
	_ =	strace $0x8000004B  }
0xb4: {  	_ =	swait.ge [sflag:s29], $0x1  }
0xb5: {  	[sflag:s29] =	ssyncadd.s32 $0xFFFFFFFF  }
0xb6: {  	_ =	strace $0x9000004B  }
0xb7: {  	_ =	sfence  }
0xb8: {  	s30 =	sld [smem:$0x0];
	_ =	sdelay $0x2  }
0xb9: {  	s31 =	sshll.u32 s1, $0xD;
	s1 =	sshrl.u32 s1, $0x2  }
0xba: {  	s3 =	sand.u32 $0x4000, s31;
	s1 =	sadd.s32 s1, s30  }
0xbb: {  	s0 =	sor.u32 s3, s0;
	s1 =	sshll.u32 s1, $0x11  }
0xbc: {  	s0 =	sor.u32 s1, s0  }
0xbd: {  	s0 =	sadd.s32 $0x8F2B, s0  }
0xbe: {  	[sflag:s0] =	ssyncadd.remote.s32 $0x1  }
0xbf: {  	_ =	sfence.sel $0xFFFF  }
0xc0: {  	[dreg:$0x0] =	wrdreg $0xFFFFFFFF;
	(pc) =	sbr.abs _section_cstart, $3  }
0xc1: {  	[dreg:$0x1] =	wrdreg $0xFFFFFFFF  }
0xc2: {  	_ =	task.clear_ibuf [dreg:s7], $0x2FFFF;
	_ =	strace $0x9FFFFFFF  }
0xc3: {  	(tm) =	ssettm $0x7FFFFFFF  }
tec
execute0_lowered:
.L_overlay_start_1:
0x0: {  	(tag) =	ssettag $0x1  }
0x1: {  	s0 =	rddreg [dreg:$0x0]  }
0x2: {  	s1 =	srdreg.scid;
	s6 =	rddreg [dreg:$0x1]  }
0x3: {  	s9 =	stileid.u32;
	s2 =	simm.s32 $0x0;
	s12 =	simm.s32 $0x80  }
0x4: {  	s13 =	simm.s32 $0x4F00;
	s14 =	simm.s32 $0x6F00;
	s16 =	simm.s32 $0x8F00  }
0x5: {  	s17 =	simm.s32 $0x1;
	s19 =	simm.s32 $0xAF00;
	s20 =	simm.s32 $0x2  }
0x6: {  	s22 =	simm.s32 $0x5;
	s24 =	simm.s32 $0x3;
	s26 =	simm.s32 $0x6  }
0x7: {  	s29 =	simm.s32 $0x4;
	s31 =	simm.s32 $0x7;
	s18 =	simm.s32 $0x4D80  }
0x8: {  	s21 =	simm.s32 $0x4E00;
	s3 =	sand.u32 $0x1, s1;
	s1 =	rddreg [dreg:$0x2]  }
0x9: {  	s23 =	simm.s32 $0x4E80;
	s25 =	simm.s32 $0x0;
	[smem:$0x7FF] =	sst s2  }
0xa: {  	p0 =	sne.s32 s9, $0x0;
	s4 =	sshll.u32 s3, $0x4;
	_ =	strace $0x8000004A  }
0xb: {  	s5 =	smul.u32 $0x13900, s3;
	s8 =	ssub.s32 $0x2, s3;
	s4 =	sor.u32 s9, s4  }
0xc: {  	s3 =	sadd.s32 $0x1A600, s0;
	s11 =	sshrl.u32 s8, $0x1;
	s7 =	smul.u32 $0x4F0, s4  }
0xd: {  	s9 =	simm.s32 $0x9;
	s4 =	sadd.s32 $0x2E000, s0;
	s8 =	ssub.s32 s8, s11  }
0xe: {  	s11 =	sshrl.u32 @!p0 s1, $0x3;
	s8 =	smax.u32 s8, $0x1;
	s10 =	sadd.s32 s7, s0  }
0xf: {  	s0 =	sadd.s32 s5, s0;
	s6 =	sadd.s32 s6, s7;
	s5 =	sadd.s32 $0x10800, s10  }
0x10: {  	s7 =	sadd.s32 $0x41A00, s0;
	s10 =	simm.s32 $0x2780;
	s0 =	simm.s32 $0x8  }
.LBB2_1:
0x11: {  	[tilespmem:s2], [sflag:$0x9] =	stream.linear.gather [hbm4b:s5+s2], $0x2780, $0x38;
	[tilespmem:$0x16B80] =	vst v63  }
0x12: {  	_ =	swait.ge [sflag:s9], $0x2780  }
0x13: {  	[sflag:s9] =	ssyncset.done $0x0  }
0x14: {  	[sflag:s9] =	ssyncadd.s32 $0xFFFFD880  }
0x15: {  	[tilespmem:s10], [sflag:$0x9] =	stream.linear.gather [hbm4b:s6+s2], $0x2780, $0x38;
	[tilespmem:$0x16B80] =	vst v63  }
0x16: {  	_ =	swait.ge [sflag:s9], $0x2780  }
0x17: {  	[sflag:s9] =	ssyncset.done $0x0  }
0x18: {  	s28 =	simm.s32 @!p0 $0x1C09;
	[sflag:s9] =	ssyncadd.s32 $0xFFFFD880  }
0x19: {  	[spmem:s11], [sflag:s28] =	dma.local @!p0 [hbm:s4], $0x13900  }
0x1a: {  	s28 =	simm.s32 @!p0 $0x9  }
0x1b: {  	_ =	swait.ge @!p0 [sflag:s28], $0x13900  }
0x1c: {  	[sflag:s28] =	ssyncset.done @!p0 $0x0  }
0x1d: {  	[sflag:s28] =	ssyncadd.s32 @!p0 $0xFFFEC700  }
0x1e: {  	[bflag:$0x0] =	sbarrier.arrive $0xFFFF  }
0x1f: {  	[tilespmem:s13], [sflag:$0x1] =	stream.indirect.gather [hbm4b:s3+s12], $0x40, s2, s12, $0xb8;
	[tilespmem:$0x16B80] =	vst v63  }
0x20: {  	_ = 	snop  }
0x21: {  	[tilespmem:s14], [sflag:$0x2] =	stream.indirect.gather [hbm4b:s3+s12], $0x40, s12, s12, $0xb8;
	[tilespmem:$0x16B80] =	vst v63  }
0x22: {  	s15 =	simm.s32 $0x100  }
0x23: {  	[tilespmem:s16], [sflag:$0x3] =	stream.indirect.gather [hbm4b:s3+s12], $0x40, s15, s12, $0xb8;
	[tilespmem:$0x16B80] =	vst v63  }
0x24: {  	_ =	swait.ge [sflag:s17], $0x2000  }
0x25: {  	[sflag:s17] =	ssyncset.done $0x0  }
0x26: {  	[sflag:s17] =	ssyncadd.s32 $0xFFFFE000  }
0x27: {  	[spmem:s1] =	stream.indirect.scatter.add.f32 [tilespmem:s13], [sflag:$0x5], $0x40, s10, s12, $0xb8;
	[tilespmem:$0x16B80] =	vst v63  }
0x28: {  	s15 =	simm.s32 $0x180  }
0x29: {  	[tilespmem:s19], [sflag:$0x4] =	stream.indirect.gather [hbm4b:s3+s12], $0x40, s15, s12, $0xb8;
	[tilespmem:$0x16B80] =	vst v63  }
0x2a: {  	_ =	swait.ge [sflag:s20], $0x2000  }
0x2b: {  	[sflag:s20] =	ssyncset.done $0x0  }
0x2c: {  	s15 =	simm.s32 $0x2800;
	[sflag:s20] =	ssyncadd.s32 $0xFFFFE000  }
0x2d: {  	[spmem:s1] =	stream.indirect.scatter.add.f32 [tilespmem:s14], [sflag:$0x6], $0x40, s15, s12, $0xb8;
	[tilespmem:$0x16B80] =	vst v63  }
0x2e: {  	_ =	swait.ge [sflag:s22], $0x2000  }
0x2f: {  	[sflag:s22] =	ssyncset.done $0x0  }
0x30: {  	s15 =	simm.s32 $0x200;
	[sflag:s22] =	ssyncadd.s32 $0xFFFFE000  }
0x31: {  	[tilespmem:s13], [sflag:$0x1] =	stream.indirect.gather [hbm4b:s3+s12], $0x40, s15, s12, $0xb8;
	[tilespmem:$0x16B80] =	vst v63  }
0x32: {  	_ =	swait.ge [sflag:s24], $0x2000  }
0x33: {  	[sflag:s24] =	ssyncset.done $0x0  }
0x34: {  	s15 =	simm.s32 $0x2880;
	[sflag:s24] =	ssyncadd.s32 $0xFFFFE000  }
0x35: {  	[spmem:s1] =	stream.indirect.scatter.add.f32 [tilespmem:s16], [sflag:$0x7], $0x40, s15, s12, $0xb8;
	[tilespmem:$0x16B80] =	vst v63  }
0x36: {  	_ =	swait.ge [sflag:s26], $0x2000  }
0x37: {  	[sflag:s26] =	ssyncset.done $0x0  }
0x38: {  	s15 =	simm.s32 $0x280;
	[sflag:s26] =	ssyncadd.s32 $0xFFFFE000  }
0x39: {  	[tilespmem:s14], [sflag:$0x2] =	stream.indirect.gather [hbm4b:s3+s12], $0x40, s15, s12, $0xb8;
	[tilespmem:$0x16B80] =	vst v63  }
0x3a: {  	_ =	swait.ge [sflag:s29], $0x2000  }
0x3b: {  	[sflag:s29] =	ssyncset.done $0x0  }
0x3c: {  	s15 =	simm.s32 $0x2900;
	[sflag:s29] =	ssyncadd.s32 $0xFFFFE000  }
0x3d: {  	[spmem:s1] =	stream.indirect.scatter.add.f32 [tilespmem:s19], [sflag:$0x8], $0x40, s15, s12, $0xb8;
	[tilespmem:$0x16B80] =	vst v63  }
0x3e: {  	_ =	swait.ge [sflag:s31], $0x2000  }
0x3f: {  	[sflag:s31] =	ssyncset.done $0x0  }
0x40: {  	s28 =	simm.s32 $0x300;
	[sflag:s31] =	ssyncadd.s32 $0xFFFFE000  }
0x41: {  	[tilespmem:s16], [sflag:$0x3] =	stream.indirect.gather [hbm4b:s3+s12], $0x40, s28, s12, $0xb8;
	[tilespmem:$0x16B80] =	vst v63  }
0x42: {  	_ =	swait.ge [sflag:s17], $0x2000  }
0x43: {  	[sflag:s17] =	ssyncset.done $0x0  }
0x44: {  	s28 =	simm.s32 $0x2980;
	[sflag:s17] =	ssyncadd.s32 $0xFFFFE000  }
0x45: {  	[spmem:s1] =	stream.indirect.scatter.add.f32 [tilespmem:s13], [sflag:$0x5], $0x40, s28, s12, $0xb8;
	[tilespmem:$0x16B80] =	vst v63  }
0x46: {  	_ =	swait.ge [sflag:s0], $0x2000  }
0x47: {  	[sflag:s0] =	ssyncset.done $0x0  }
0x48: {  	s28 =	simm.s32 $0x380;
	[sflag:s0] =	ssyncadd.s32 $0xFFFFE000  }
0x49: {  	[tilespmem:s19], [sflag:$0x4] =	stream.indirect.gather [hbm4b:s3+s12], $0x40, s28, s12, $0xb8;
	[tilespmem:$0x16B80] =	vst v63  }
0x4a: {  	_ =	swait.ge [sflag:s20], $0x2000  }
0x4b: {  	[sflag:s20] =	ssyncset.done $0x0  }
0x4c: {  	s28 =	simm.s32 $0x2A00;
	[sflag:s20] =	ssyncadd.s32 $0xFFFFE000  }
0x4d: {  	[spmem:s1] =	stream.indirect.scatter.add.f32 [tilespmem:s14], [sflag:$0x6], $0x40, s28, s12, $0xb8;
	[tilespmem:$0x16B80] =	vst v63  }
0x4e: {  	_ =	swait.ge [sflag:s22], $0x2000  }
0x4f: {  	[sflag:s22] =	ssyncset.done $0x0  }
0x50: {  	s28 =	simm.s32 $0x400;
	[sflag:s22] =	ssyncadd.s32 $0xFFFFE000  }
0x51: {  	[tilespmem:s13], [sflag:$0x1] =	stream.indirect.gather [hbm4b:s3+s12], $0x40, s28, s12, $0xb8;
	[tilespmem:$0x16B80] =	vst v63  }
0x52: {  	_ =	swait.ge [sflag:s24], $0x2000  }
0x53: {  	[sflag:s24] =	ssyncset.done $0x0  }
0x54: {  	s28 =	simm.s32 $0x2A80;
	[sflag:s24] =	ssyncadd.s32 $0xFFFFE000  }
0x55: {  	[spmem:s1] =	stream.indirect.scatter.add.f32 [tilespmem:s16], [sflag:$0x7], $0x40, s28, s12, $0xb8;
	[tilespmem:$0x16B80] =	vst v63  }
0x56: {  	_ =	swait.ge [sflag:s26], $0x2000  }
0x57: {  	[sflag:s26] =	ssyncset.done $0x0  }
0x58: {  	s28 =	simm.s32 $0x480;
	[sflag:s26] =	ssyncadd.s32 $0xFFFFE000  }
0x59: {  	[tilespmem:s14], [sflag:$0x2] =	stream.indirect.gather [hbm4b:s3+s12], $0x40, s28, s12, $0xb8;
	[tilespmem:$0x16B80] =	vst v63  }
0x5a: {  	_ =	swait.ge [sflag:s29], $0x2000  }
0x5b: {  	[sflag:s29] =	ssyncset.done $0x0  }
0x5c: {  	s30 =	simm.s32 $0x2B00;
	s28 =	simm.s32 $0x800;
	[sflag:s29] =	ssyncadd.s32 $0xFFFFE000  }
.LBB2_2:
0x5d: {  	[spmem:s1] =	stream.indirect.scatter.add.f32 [tilespmem:s19], [sflag:$0x8], $0x40, s30, s12, $0xb8;
	[tilespmem:$0x16B80] =	vst v63  }
0x5e: {  	s30 =	smov.u32 s28  }
0x5f: {  	p1 =	sne.s32 s28, $0x8800;
	s28 =	sadd.s32 $0x800, s28;
	_ =	swait.ge [sflag:s31], $0x2000  }
0x60: {  	s30 =	sshra.s32 s30, $0x2;
	[sflag:s31] =	ssyncset.done $0x0  }
0x61: {  	s15 =	sadd.s32 $0x300, s30;
	[sflag:s31] =	ssyncadd.s32 $0xFFFFE000  }
0x62: {  	[tilespmem:s16], [sflag:$0x3] =	stream.indirect.gather [hbm4b:s3+s12], $0x40, s15, s12, $0xb8;
	[tilespmem:$0x16B80] =	vst v63  }
0x63: {  	_ =	swait.ge [sflag:s17], $0x2000  }
0x64: {  	[sflag:s17] =	ssyncset.done $0x0  }
0x65: {  	s15 =	sadd.s32 $0x2980, s30;
	[sflag:s17] =	ssyncadd.s32 $0xFFFFE000  }
0x66: {  	[spmem:s1] =	stream.indirect.scatter.add.f32 [tilespmem:s13], [sflag:$0x5], $0x40, s15, s12, $0xb8;
	[tilespmem:$0x16B80] =	vst v63  }
0x67: {  	_ =	swait.ge [sflag:s0], $0x2000  }
0x68: {  	[sflag:s0] =	ssyncset.done $0x0  }
0x69: {  	s15 =	sadd.s32 $0x380, s30;
	[sflag:s0] =	ssyncadd.s32 $0xFFFFE000  }
0x6a: {  	[tilespmem:s19], [sflag:$0x4] =	stream.indirect.gather [hbm4b:s3+s12], $0x40, s15, s12, $0xb8;
	[tilespmem:$0x16B80] =	vst v63  }
0x6b: {  	_ =	swait.ge [sflag:s20], $0x2000  }
0x6c: {  	[sflag:s20] =	ssyncset.done $0x0  }
0x6d: {  	s15 =	sadd.s32 $0x2A00, s30;
	[sflag:s20] =	ssyncadd.s32 $0xFFFFE000  }
0x6e: {  	[spmem:s1] =	stream.indirect.scatter.add.f32 [tilespmem:s14], [sflag:$0x6], $0x40, s15, s12, $0xb8;
	[tilespmem:$0x16B80] =	vst v63  }
0x6f: {  	_ =	swait.ge [sflag:s22], $0x2000  }
0x70: {  	[sflag:s22] =	ssyncset.done $0x0  }
0x71: {  	s15 =	sadd.s32 $0x400, s30;
	[sflag:s22] =	ssyncadd.s32 $0xFFFFE000  }
0x72: {  	[tilespmem:s13], [sflag:$0x1] =	stream.indirect.gather [hbm4b:s3+s12], $0x40, s15, s12, $0xb8;
	[tilespmem:$0x16B80] =	vst v63  }
0x73: {  	_ =	swait.ge [sflag:s24], $0x2000  }
0x74: {  	[sflag:s24] =	ssyncset.done $0x0  }
0x75: {  	s15 =	sadd.s32 $0x2A80, s30;
	[sflag:s24] =	ssyncadd.s32 $0xFFFFE000  }
0x76: {  	[spmem:s1] =	stream.indirect.scatter.add.f32 [tilespmem:s16], [sflag:$0x7], $0x40, s15, s12, $0xb8;
	[tilespmem:$0x16B80] =	vst v63  }
0x77: {  	_ =	swait.ge [sflag:s26], $0x2000  }
0x78: {  	[sflag:s26] =	ssyncset.done $0x0  }
.Ltmp0:
0x79: {  	s15 =	sadd.s32 $0x480, s30;
	[sflag:s26] =	ssyncadd.s32 $0xFFFFE000;
	(pc) =	sbr.rel @p1 .LBB2_2-.Ltmp0, $4  }
0x7a: {  	[tilespmem:s14], [sflag:$0x2] =	stream.indirect.gather [hbm4b:s3+s12], $0x40, s15, s12, $0xb8;
	[tilespmem:$0x16B80] =	vst v63  }
0x7b: {  	_ =	swait.ge [sflag:s29], $0x2000  }
0x7c: {  	[sflag:s29] =	ssyncset.done $0x0  }
0x7d: {  	s30 =	sadd.s32 $0x2B00, s30;
	[sflag:s29] =	ssyncadd.s32 $0xFFFFE000  }
0x7e: {  	[spmem:s1] =	stream.indirect.scatter.add.f32 [tilespmem:s19], [sflag:$0x8], $0x40, s30, s12, $0xb8;
	[tilespmem:$0x16B80] =	vst v63  }
0x7f: {  	_ =	swait.ge [sflag:s31], $0x2000  }
0x80: {  	[sflag:s31] =	ssyncset.done $0x0  }
0x81: {  	s15 =	simm.s32 $0x2700;
	[sflag:s31] =	ssyncadd.s32 $0xFFFFE000  }
0x82: {  	[tilespmem:s16], [sflag:$0x3] =	stream.indirect.gather [hbm4b:s3+s12], $0x40, s15, s12, $0xb8;
	[tilespmem:$0x16B80] =	vst v63  }
0x83: {  	_ =	swait.ge [sflag:s17], $0x2000  }
0x84: {  	[sflag:s17] =	ssyncset.done $0x0  }
0x85: {  	[sflag:s17] =	ssyncadd.s32 $0xFFFFE000  }
0x86: {  	[spmem:s1] =	stream.indirect.scatter.add.f32 [tilespmem:s13], [sflag:$0x5], $0x40, s18, s12, $0xb8;
	[tilespmem:$0x16B80] =	vst v63  }
0x87: {  	_ =	swait.ge [sflag:s0], $0x2000  }
0x88: {  	[sflag:s0] =	ssyncset.done $0x0  }
0x89: {  	[sflag:s0] =	ssyncadd.s32 $0xFFFFE000  }
0x8a: {  	_ =	swait.ge [sflag:s20], $0x2000  }
0x8b: {  	[sflag:s20] =	ssyncset.done $0x0  }
0x8c: {  	[sflag:s20] =	ssyncadd.s32 $0xFFFFE000  }
0x8d: {  	[spmem:s1] =	stream.indirect.scatter.add.f32 [tilespmem:s14], [sflag:$0x6], $0x40, s21, s12, $0xb8;
	[tilespmem:$0x16B80] =	vst v63  }
0x8e: {  	_ =	swait.ge [sflag:s22], $0x2000  }
0x8f: {  	[sflag:s22] =	ssyncset.done $0x0  }
0x90: {  	[sflag:s22] =	ssyncadd.s32 $0xFFFFE000  }
0x91: {  	_ =	swait.ge [sflag:s24], $0x2000  }
0x92: {  	[sflag:s24] =	ssyncset.done $0x0  }
0x93: {  	[sflag:s24] =	ssyncadd.s32 $0xFFFFE000  }
0x94: {  	[spmem:s1] =	stream.indirect.scatter.add.f32 [tilespmem:s16], [sflag:$0x7], $0x40, s23, s12, $0xb8;
	[tilespmem:$0x16B80] =	vst v63  }
0x95: {  	_ =	swait.ge [sflag:s26], $0x2000  }
0x96: {  	[sflag:s26] =	ssyncset.done $0x0  }
0x97: {  	[sflag:s26] =	ssyncadd.s32 $0xFFFFE000  }
0x98: {  	_ =	swait.ge [sflag:s31], $0x2000  }
0x99: {  	[sflag:s31] =	ssyncset.done $0x0  }
0x9a: {  	s25 =	sadd.s32 $0x1, s25;
	[sflag:s31] =	ssyncadd.s32 $0xFFFFE000  }
0x9b: {  	p1 =	sne.s32 s25, s8;
	s15 =	simm.s32 @!p0 $0x1C09;
	[bflag:$0x0] =	sbarrier.arrive $0xFFFF  }
0x9c: {  	[hbm:s7], [sflag:s15] =	dma.local @!p0 [spmem:s11], $0x13900  }
.Ltmp1:
0x9d: {  	_ = 	snop;
	(pc) =	sbr.rel @p1 .LBB2_1-.Ltmp1, $4  }
0x9e: {  	s15 =	simm.s32 @!p0 $0x9  }
0x9f: {  	_ =	swait.ge @!p0 [sflag:s15], $0x13900  }
0xa0: {  	[sflag:s15] =	ssyncset.done @!p0 $0x0  }
0xa1: {  	[sflag:s15] =	ssyncadd.s32 @!p0 $0xFFFEC700  }
0xa2: {  	_ =	sfence.sel $0x180000  }
0xa3: {  	[bflag:$0x0] =	sbarrier.arrive $0xFFFF  }
0xa4: {  	_ =	strace $0x9000004A  }
0xa5: {  	[bflag:$0x2] =	sbarrier.arrive $0xFFFF  }
0xa6: {  	s0 =	rddreg [dreg:$0x3]  }
0xa7: {  	s0 =	sadd.s32 @!p0 $0x100000, s0  }
0xa8: {  	[sflag:s0] =	ssyncadd.tile.s32 @!p0 $0x1;
	_ =	shalt  }
.Lfunc_end2:
_tile_overlayer_lowered:
.L_overlay_start_2:
0xa9: {  	(tag) =	ssettag $0x2  }
0xaa: {  	s0 =	rddreg [dreg:$0x0];
	s2 =	stileid.u32  }
0xab: {  	s1 =	rddreg [dreg:$0x1];
	p0 =	sne.s32 s2, $0x0  }
0xac: {  	s3 =	rddreg [dreg:$0x2];
	[bflag:$0x3] =	sbarrier.arrive $0xFFFF;
	s2 =	simm.s32 @!p0 $0x1C09  }
0xad: {  	[timem:s3], [sflag:s2] =	dma.local @!p0 [hbm:s0], s1  }
0xae: {  	s0 =	simm.s32 @!p0 $0x9  }
0xaf: {  	_ =	swait.ge @!p0 [sflag:s0], s1  }
0xb0: {  	s1 =	ssub.s32 @!p0 $0x0, s1;
	[sflag:s0] =	ssyncset.done @!p0 $0x0  }
0xb1: {  	[sflag:s0] =	ssyncadd.s32 @!p0 s1  }
0xb2: {  	[bflag:$0x3] =	sbarrier.arrive $0xFFFF  }
0xb3: {  	_ =	shalt  }

// kernel: kernel.14.cloned.1.call-start
scs
__scs_entry_jumppad:
0x0: {  	(pc) =	sbr.rel $0x88, $3  }
0x1: {  	(tag) =	ssettag $0x0;
	lr =	simm.s32 $0x1  }
0x2: {  	[smem:$0x3F9B] =	sst lr;
	_ =	strace $0xD0000000  }
0x3: {  	_ = 	snop  }
0x4: {  	_ = 	snop  }
0x5: {  	_ = 	snop  }
0x6: {  	_ = 	snop  }
0x7: {  	_ = 	snop  }
__scs_overlays_trampoline_lowered:
0x8: {  	[smem:$0x3FAA] =	sst s0  }
0x9: {  	[smem:$0x3FAB] =	sst s1  }
0xa: {  	[smem:$0x3FAC] =	sst s2  }
0xb: {  	[smem:$0x3FAD] =	sst s3  }
0xc: {  	[smem:$0x3FAE] =	sst s4  }
0xd: {  	[smem:$0x3FAF] =	sst s5  }
0xe: {  	[smem:$0x3FB0] =	sst s6  }
0xf: {  	[smem:$0x3FB1] =	sst s7  }
0x10: {  	[smem:$0x3FB2] =	sst s8  }
0x11: {  	[smem:$0x3FB3] =	sst s9;
	s0 =	simm.s32 @!p0 $0x0  }
0x12: {  	s1 =	sld [smem:$0x3F99];
	s0 =	simm.s32 @p0 $0x1  }
0x13: {  	[smem:$0x3FB4] =	sst s0;
	s0 =	simm.s32 @!p1 $0x0  }
0x14: {  	s2 =	sld [smem:$0x3F98];
	s0 =	simm.s32 @p1 $0x1  }
0x15: {  	[smem:$0x3FB5] =	sst s0;
	s0 =	simm.s32 @!p2 $0x0  }
0x16: {  	s3 =	sld [smem:$0x3FDB];
	s0 =	simm.s32 @p2 $0x1  }
0x17: {  	s4 =	simm.s32 $0x1BF5;
	[smem:$0x3FB7] =	sst s0  }
0x18: {  	s0 =	sld [smem:$0x3F9A];
	_ =	swait.ge [sflag:s4], $0x0  }
0x19: {  	s7 =	sld [smem:$0x3F9B]  }
0x1a: {  	s8 =	sadd.s32 $0xFFFFE003, lr  }
0x1b: {  	s9 =	sadd.s32 $0xFFFFFEF7, lr;
	s5 =	simm.s32 $0xFFFFFFFF;
	p2 =	slt.u32 s8, $0xFFFFF086  }
0x1c: {  	p1 =	slt.u32 s9, $0xF7A;
	s5 =	simm.s32 @!p2 $0x0  }
0x1d: {  	s5 =	simm.s32 @p1 $0x1;
	p0 =	seq.s32 s7, s2  }
0x1e: {  	s7 =	smul.u32 @!p0 $0xF7A, s2;
	p2 =	seq.s32 @!p0 s5, $0x0  }
0x1f: {  	s9 =	smul.u32 $0xF7A, s1;
	s8 =	simm.s32 @!p0 $0x1BF5;
	p2 =	por !p2, p0  }
0x20: {  	[sflag:s8] =	ssyncset.s32 @!p0 $0xFFFFF086;
	s6 =	sadd.s32 @!p0 s3, s7;
	s7 =	simm.s32 @!p0 $0x108  }
0x21: {  	s3 =	sadd.s32 s3, s9;
	s6 =	sadd.s32 @!p0 $0x88, s6;
	s7 =	simm.s32 @p2 $0x1082  }
0x22: {  	[simem:s7], [sflag:s8] =	dma.local @!p0 [hbm:s6], $0xF7A  }
0x23: {  	s9 =	sor.u32 $0xD0000000, s2;
	s6 =	simm.s32 $0x108;
	_ =	swait.ge @!p0 [sflag:s8], $0x0  }
0x24: {  	s3 =	sadd.s32 $0x88, s3;
	s6 =	simm.s32 @!p1 $0x1082;
	[sflag:s4] =	ssyncset.s32 $0xFFFFF086  }
0x25: {  	[simem:s6], [sflag:s4] =	dma.local [hbm:s3], $0xF7A  }
0x26: {  	[smem:$0x3F9B] =	sst s1;
	(tag) =	ssettag s2;
	_ =	strace s9  }
0x27: {  	s1 =	sld [smem:$0x3FAB]  }
0x28: {  	s2 =	sld [smem:$0x3FAC]  }
0x29: {  	s4 =	sld [smem:$0x3FAE]  }
0x2a: {  	p0 =	seq.s32 s5, $0x0;
	s5 =	sld [smem:$0x3FAF]  }
0x2b: {  	s6 =	sld [smem:$0x3FB0]  }
0x2c: {  	s7 =	sld [smem:$0x3FB1]  }
0x2d: {  	s3 =	simm.s32 $0x108;
	s8 =	sld [smem:$0x3FB2]  }
0x2e: {  	s3 =	simm.s32 @!p0 $0x1082;
	s9 =	sld [smem:$0x3FB3]  }
0x2f: {  	lr =	sadd.s32 s0, s3;
	s0 =	sld [smem:$0x3FAA]  }
0x30: {  	s3 =	sld [smem:$0x3FAD]  }
0x31: {  	[smem:$0x3FB6] =	sst s10  }
0x32: {  	s10 =	sld [smem:$0x3FB4];
	_ =	sdelay $0x3  }
0x33: {  	p0 =	seq.s32 s10, $0x1;
	s10 =	sld [smem:$0x3FB6];
	_ =	sdelay $0x3  }
0x34: {  	[smem:$0x3FB6] =	sst s10  }
0x35: {  	s10 =	sld [smem:$0x3FB5];
	_ =	sdelay $0x3  }
0x36: {  	p1 =	seq.s32 s10, $0x1;
	s10 =	sld [smem:$0x3FB6];
	_ =	sdelay $0x3  }
0x37: {  	[smem:$0x3FB6] =	sst s10  }
0x38: {  	s10 =	sld [smem:$0x3FB7]  }
0x39: {  	_ = 	snop;
	(pc) =	sbr.ind lr, $3  }
0x3a: {  	_ = 	snop  }
0x3b: {  	_ = 	snop  }
0x3c: {  	p2 =	seq.s32 s10, $0x1;
	s10 =	sld [smem:$0x3FB6]  }
0x3d: {  	_ =	shalt  }
0x3e: {  	_ =	shalt  }
0x3f: {  	_ =	shalt  }
0x40: {  	_ =	shalt  }
0x41: {  	_ =	shalt  }
0x42: {  	_ =	shalt  }
0x43: {  	_ =	shalt  }
0x44: {  	_ =	shalt  }
0x45: {  	_ =	shalt  }
0x46: {  	_ =	shalt  }
0x47: {  	_ =	shalt  }
0x48: {  	_ =	shalt  }
0x49: {  	_ =	shalt  }
0x4a: {  	_ =	shalt  }
0x4b: {  	_ =	shalt  }
0x4c: {  	_ =	shalt  }
0x4d: {  	_ =	shalt  }
0x4e: {  	_ =	shalt  }
0x4f: {  	_ =	shalt  }
0x50: {  	_ =	shalt  }
0x51: {  	_ =	shalt  }
0x52: {  	_ =	shalt  }
0x53: {  	_ =	shalt  }
0x54: {  	_ =	shalt  }
0x55: {  	_ =	shalt  }
0x56: {  	_ =	shalt  }
0x57: {  	_ =	shalt  }
0x58: {  	_ =	shalt  }
0x59: {  	_ =	shalt  }
0x5a: {  	_ =	shalt  }
0x5b: {  	_ =	shalt  }
0x5c: {  	_ =	shalt  }
0x5d: {  	_ =	shalt  }
0x5e: {  	_ =	shalt  }
0x5f: {  	_ =	shalt  }
0x60: {  	_ =	shalt  }
0x61: {  	_ =	shalt  }
0x62: {  	_ =	shalt  }
0x63: {  	_ =	shalt  }
0x64: {  	_ =	shalt  }
0x65: {  	_ =	shalt  }
0x66: {  	_ =	shalt  }
0x67: {  	_ =	shalt  }
0x68: {  	_ =	shalt  }
0x69: {  	_ =	shalt  }
0x6a: {  	_ =	shalt  }
0x6b: {  	_ =	shalt  }
0x6c: {  	_ =	shalt  }
0x6d: {  	_ =	shalt  }
0x6e: {  	_ =	shalt  }
0x6f: {  	_ =	shalt  }
0x70: {  	_ =	shalt  }
0x71: {  	_ =	shalt  }
0x72: {  	_ =	shalt  }
0x73: {  	_ =	shalt  }
0x74: {  	_ =	shalt  }
0x75: {  	_ =	shalt  }
0x76: {  	_ =	shalt  }
0x77: {  	_ =	shalt  }
0x78: {  	_ =	shalt  }
0x79: {  	_ =	shalt  }
0x7a: {  	_ =	shalt  }
0x7b: {  	_ =	shalt  }
0x7c: {  	_ =	shalt  }
0x7d: {  	_ =	shalt  }
0x7e: {  	_ =	shalt  }
0x7f: {  	_ =	shalt  }
0x80: {  	_ =	shalt  }
0x81: {  	_ =	shalt  }
0x82: {  	_ =	shalt  }
0x83: {  	_ =	shalt  }
0x84: {  	_ =	shalt  }
0x85: {  	_ =	shalt  }
0x86: {  	_ =	shalt  }
0x87: {  	_ =	shalt  }
.Lfunc_end0:
.L_simem_size_0:
called_computation.2_lowered:
.L_overlay_start_0:
0x88: {  	s2 =	sld [smem:$0x3FD9]  }
0x89: {  	s3 =	sld [smem:$0x3FFE];
	_ =	sdelay $0x1  }
0x8a: {  	s1 =	srdreg.scid  }
0x8b: {  	s0 =	sand.u32 $0x1, s1  }
0x8c: {  	s17 =	sshll.u32 s0, $0xA;
	s2 =	sadd.s32 s3, s2  }
0x8d: {  	s2 =	sadd.s32 s2, s17  }
0x8e: {  	[smem:$0x3FC2] =	sst s2  }
0x8f: {  	_ = 	snop  }
0x90: {  	s2 =	sld [smem:$0x3FD0];
	(tm) =	ssettm $0x1  }
0x91: {  	s18 =	sld [smem:$0x3FFB];
	_ =	sdelay $0x3  }
0x92: {  	_ =	strace s18  }
0x93: {  	s3 =	sld [smem:$0x3FFC];
	_ =	sdelay $0x3  }
0x94: {  	_ =	strace s3  }
0x95: {  	s3 =	sld [smem:$0x3FFD];
	_ =	sdelay $0x3  }
0x96: {  	_ =	strace s3  }
0x97: {  	_ =	strace $0x8FFFFFFF  }
0x98: {  	s19 =	sld [smem:$0x3FDB];
	_ =	sdelay $0x1  }
0x99: {  	s4 =	simm.s32 $_scs_section_size  }
0x9a: {  	s5 =	simm.s32 $_size__tile_overlayer_lowered;
	s6 =	simm.s32 $_tile_overlayer_lowered  }
0x9b: {  	s22 =	simm.s32 $0x1BFF;
	s21 =	sshll.u32 s6, $0x1;
	s3 =	sadd.s32 s4, s19  }
0x9c: {  	s7 =	simm.s32 $0x0;
	s20 =	sshll.u32 s5, $0x1;
	s5 =	sadd.s32 s21, s3  }
0x9d: {  	[timem:s7], [sflag:s22] =	dma.local [hbm:s5], s20  }
0x9e: {  	_ =	swait.ge [sflag:s22], s20  }
0x9f: {  	s4 =	ssub.s32 $0x0, s20;
	[sflag:s22] =	ssyncset.done $0x0  }
0xa0: {  	[sflag:s22] =	ssyncadd.s32 s4;
	_ =	sdelay $0x1  }
0xa1: {  	s23 =	simm.s32 $0x1B8B  }
0xa2: {  	_ =	swait.ge [sflag:s23], $0x1  }
0xa3: {  	[sflag:s23] =	ssyncset.done $0x0  }
0xa4: {  	s25 =	simm.s32 $0x1B8E;
	s24 =	sld [smem:$0x3FFE];
	[sflag:s23] =	ssyncadd.s32 $0xFFFFFFFF  }
0xa5: {  	s26 =	simm.s32 $execute0_lowered;
	[smem:$0x3FD2] =	sst s25  }
0xa6: {  	s5 =	sshll.u32 s26, $0x1;
	_ =	strace $0x8000004C;
	[dreg:$0x1] =	wrdreg $0xFFFFFFFF  }
0xa7: {  	s28 =	simm.s32 $_size_execute0_lowered;
	s3 =	sadd.s32 s3, s5;
	[dreg:$0x0] =	wrdreg $0x0  }
0xa8: {  	s5 =	sshll.u32 s28, $0x1;
	[dreg:$0x2] =	wrdreg s3  }
0xa9: {  	[dreg:$0x3] =	wrdreg s5  }
0xaa: {  	[dreg:$0x4] =	wrdreg $0xC0  }
0xab: {  	_ =	task [dreg:s7], $0x5FFFF  }
0xac: {  	[dreg:$0x1] =	wrdreg $0xFFFFFFFF  }
0xad: {  	[dreg:$0x0] =	wrdreg $0x60  }
0xae: {  	[dreg:$0x2] =	wrdreg s24  }
0xaf: {  	[dreg:$0x3] =	wrdreg s2  }
0xb0: {  	[dreg:$0x4] =	wrdreg $0x8F000  }
0xb1: {  	[dreg:$0x5] =	wrdreg $0x9  }
0xb2: {  	_ =	task.clear_ibuf [dreg:s7], $0x6FFFF;
	_ =	strace $0x9000004C  }
0xb3: {  	s29 =	simm.s32 $0x9;
	_ =	strace $0x8000004E  }
0xb4: {  	_ =	swait.ge [sflag:s29], $0x1  }
0xb5: {  	[sflag:s29] =	ssyncadd.s32 $0xFFFFFFFF  }
0xb6: {  	_ =	strace $0x9000004E  }
0xb7: {  	_ =	sfence  }
0xb8: {  	s30 =	sld [smem:$0x0];
	_ =	sdelay $0x2  }
0xb9: {  	s31 =	sshll.u32 s1, $0xD;
	s1 =	sshrl.u32 s1, $0x2  }
0xba: {  	s3 =	sand.u32 $0x4000, s31;
	s1 =	sadd.s32 s1, s30  }
0xbb: {  	s0 =	sor.u32 s3, s0;
	s1 =	sshll.u32 s1, $0x11  }
0xbc: {  	s0 =	sor.u32 s1, s0  }
0xbd: {  	s0 =	sadd.s32 $0x8F2B, s0  }
0xbe: {  	[sflag:s0] =	ssyncadd.remote.s32 $0x1  }
0xbf: {  	_ =	sfence.sel $0xFFFF  }
0xc0: {  	[dreg:$0x0] =	wrdreg $0xFFFFFFFF;
	(pc) =	sbr.abs _section_cstart, $3  }
0xc1: {  	[dreg:$0x1] =	wrdreg $0xFFFFFFFF  }
0xc2: {  	_ =	task.clear_ibuf [dreg:s7], $0x2FFFF;
	_ =	strace $0x9FFFFFFF  }
0xc3: {  	(tm) =	ssettm $0x7FFFFFFF  }
tec
execute0_lowered:
.L_overlay_start_1:
0x0: {  	(tag) =	ssettag $0x1  }
0x1: {  	s0 =	rddreg [dreg:$0x0]  }
0x2: {  	s1 =	srdreg.scid;
	s6 =	rddreg [dreg:$0x1]  }
0x3: {  	s9 =	stileid.u32;
	s2 =	simm.s32 $0x0;
	s12 =	simm.s32 $0x80  }
0x4: {  	s13 =	simm.s32 $0x4F00;
	s14 =	simm.s32 $0x5F00;
	s16 =	simm.s32 $0x6F00  }
0x5: {  	s17 =	simm.s32 $0x1;
	s19 =	simm.s32 $0x7F00;
	s20 =	simm.s32 $0x2  }
0x6: {  	s22 =	simm.s32 $0x5;
	s24 =	simm.s32 $0x3;
	s26 =	simm.s32 $0x6  }
0x7: {  	s29 =	simm.s32 $0x4;
	s31 =	simm.s32 $0x7;
	s18 =	simm.s32 $0x4D80  }
0x8: {  	s21 =	simm.s32 $0x4E00;
	s3 =	sand.u32 $0x1, s1;
	s1 =	rddreg [dreg:$0x2]  }
0x9: {  	s23 =	simm.s32 $0x4E80;
	s25 =	simm.s32 $0x0;
	[smem:$0x7FF] =	sst s2  }
0xa: {  	p0 =	sne.s32 s9, $0x0;
	s4 =	sshll.u32 s3, $0x4;
	_ =	strace $0x8000004D  }
0xb: {  	s5 =	smul.u32 $0x9C80, s3;
	s8 =	ssub.s32 $0x2, s3;
	s4 =	sor.u32 s9, s4  }
0xc: {  	s3 =	sadd.s32 $0x1800, s0;
	s11 =	sshrl.u32 s8, $0x1;
	s7 =	smul.u32 $0x4F0, s4  }
0xd: {  	s9 =	simm.s32 $0x9;
	s4 =	sadd.s32 $0x1A600, s0;
	s8 =	ssub.s32 s8, s11  }
0xe: {  	s11 =	sshrl.u32 @!p0 s1, $0x3;
	s8 =	smax.u32 s8, $0x1;
	s10 =	sadd.s32 s7, s0  }
0xf: {  	s0 =	sadd.s32 s5, s0;
	s6 =	sadd.s32 s6, s7;
	s5 =	sadd.s32 $0x10800, s10  }
0x10: {  	s7 =	sadd.s32 $0x24400, s0;
	s10 =	simm.s32 $0x2780;
	s0 =	simm.s32 $0x8  }
.LBB2_1:
0x11: {  	[tilespmem:s2], [sflag:$0x9] =	stream.linear.gather [hbm4b:s5+s2], $0x2780, $0x38;
	[tilespmem:$0xDD40] =	vst v63  }
0x12: {  	_ =	swait.ge [sflag:s9], $0x2780  }
0x13: {  	[sflag:s9] =	ssyncset.done $0x0  }
0x14: {  	[sflag:s9] =	ssyncadd.s32 $0xFFFFD880  }
0x15: {  	[tilespmem:s10], [sflag:$0x9] =	stream.linear.gather [hbm4b:s6+s2], $0x2780, $0x38;
	[tilespmem:$0xDD40] =	vst v63  }
0x16: {  	_ =	swait.ge [sflag:s9], $0x2780  }
0x17: {  	[sflag:s9] =	ssyncset.done $0x0  }
0x18: {  	s28 =	simm.s32 @!p0 $0x1C09;
	[sflag:s9] =	ssyncadd.s32 $0xFFFFD880  }
0x19: {  	[spmem:s11], [sflag:s28] =	dma.local @!p0 [hbm:s4], $0x9C80  }
0x1a: {  	s28 =	simm.s32 @!p0 $0x9  }
0x1b: {  	_ =	swait.ge @!p0 [sflag:s28], $0x9C80  }
0x1c: {  	[sflag:s28] =	ssyncset.done @!p0 $0x0  }
0x1d: {  	[sflag:s28] =	ssyncadd.s32 @!p0 $0xFFFF6380  }
0x1e: {  	[bflag:$0x0] =	sbarrier.arrive $0xFFFF  }
0x1f: {  	[tilespmem:s13], [sflag:$0x1] =	stream.indirect.gather [hbm4b:s3+s12], $0x20, s2, s12, $0xb8;
	[tilespmem:$0xDD40] =	vst v63  }
0x20: {  	_ = 	snop  }
0x21: {  	[tilespmem:s14], [sflag:$0x2] =	stream.indirect.gather [hbm4b:s3+s12], $0x20, s12, s12, $0xb8;
	[tilespmem:$0xDD40] =	vst v63  }
0x22: {  	s15 =	simm.s32 $0x100  }
0x23: {  	[tilespmem:s16], [sflag:$0x3] =	stream.indirect.gather [hbm4b:s3+s12], $0x20, s15, s12, $0xb8;
	[tilespmem:$0xDD40] =	vst v63  }
0x24: {  	_ =	swait.ge [sflag:s17], $0x1000  }
0x25: {  	[sflag:s17] =	ssyncset.done $0x0  }
0x26: {  	[sflag:s17] =	ssyncadd.s32 $0xFFFFF000  }
0x27: {  	[spmem:s1] =	stream.indirect.scatter.add.f32 [tilespmem:s13], [sflag:$0x5], $0x20, s10, s12, $0xb8;
	[tilespmem:$0xDD40] =	vst v63  }
0x28: {  	s15 =	simm.s32 $0x180  }
0x29: {  	[tilespmem:s19], [sflag:$0x4] =	stream.indirect.gather [hbm4b:s3+s12], $0x20, s15, s12, $0xb8;
	[tilespmem:$0xDD40] =	vst v63  }
0x2a: {  	_ =	swait.ge [sflag:s20], $0x1000  }
0x2b: {  	[sflag:s20] =	ssyncset.done $0x0  }
0x2c: {  	s15 =	simm.s32 $0x2800;
	[sflag:s20] =	ssyncadd.s32 $0xFFFFF000  }
0x2d: {  	[spmem:s1] =	stream.indirect.scatter.add.f32 [tilespmem:s14], [sflag:$0x6], $0x20, s15, s12, $0xb8;
	[tilespmem:$0xDD40] =	vst v63  }
0x2e: {  	_ =	swait.ge [sflag:s22], $0x1000  }
0x2f: {  	[sflag:s22] =	ssyncset.done $0x0  }
0x30: {  	s15 =	simm.s32 $0x200;
	[sflag:s22] =	ssyncadd.s32 $0xFFFFF000  }
0x31: {  	[tilespmem:s13], [sflag:$0x1] =	stream.indirect.gather [hbm4b:s3+s12], $0x20, s15, s12, $0xb8;
	[tilespmem:$0xDD40] =	vst v63  }
0x32: {  	_ =	swait.ge [sflag:s24], $0x1000  }
0x33: {  	[sflag:s24] =	ssyncset.done $0x0  }
0x34: {  	s15 =	simm.s32 $0x2880;
	[sflag:s24] =	ssyncadd.s32 $0xFFFFF000  }
0x35: {  	[spmem:s1] =	stream.indirect.scatter.add.f32 [tilespmem:s16], [sflag:$0x7], $0x20, s15, s12, $0xb8;
	[tilespmem:$0xDD40] =	vst v63  }
0x36: {  	_ =	swait.ge [sflag:s26], $0x1000  }
0x37: {  	[sflag:s26] =	ssyncset.done $0x0  }
0x38: {  	s15 =	simm.s32 $0x280;
	[sflag:s26] =	ssyncadd.s32 $0xFFFFF000  }
0x39: {  	[tilespmem:s14], [sflag:$0x2] =	stream.indirect.gather [hbm4b:s3+s12], $0x20, s15, s12, $0xb8;
	[tilespmem:$0xDD40] =	vst v63  }
0x3a: {  	_ =	swait.ge [sflag:s29], $0x1000  }
0x3b: {  	[sflag:s29] =	ssyncset.done $0x0  }
0x3c: {  	s15 =	simm.s32 $0x2900;
	[sflag:s29] =	ssyncadd.s32 $0xFFFFF000  }
0x3d: {  	[spmem:s1] =	stream.indirect.scatter.add.f32 [tilespmem:s19], [sflag:$0x8], $0x20, s15, s12, $0xb8;
	[tilespmem:$0xDD40] =	vst v63  }
0x3e: {  	_ =	swait.ge [sflag:s31], $0x1000  }
0x3f: {  	[sflag:s31] =	ssyncset.done $0x0  }
0x40: {  	s28 =	simm.s32 $0x300;
	[sflag:s31] =	ssyncadd.s32 $0xFFFFF000  }
0x41: {  	[tilespmem:s16], [sflag:$0x3] =	stream.indirect.gather [hbm4b:s3+s12], $0x20, s28, s12, $0xb8;
	[tilespmem:$0xDD40] =	vst v63  }
0x42: {  	_ =	swait.ge [sflag:s17], $0x1000  }
0x43: {  	[sflag:s17] =	ssyncset.done $0x0  }
0x44: {  	s28 =	simm.s32 $0x2980;
	[sflag:s17] =	ssyncadd.s32 $0xFFFFF000  }
0x45: {  	[spmem:s1] =	stream.indirect.scatter.add.f32 [tilespmem:s13], [sflag:$0x5], $0x20, s28, s12, $0xb8;
	[tilespmem:$0xDD40] =	vst v63  }
0x46: {  	_ =	swait.ge [sflag:s0], $0x1000  }
0x47: {  	[sflag:s0] =	ssyncset.done $0x0  }
0x48: {  	s28 =	simm.s32 $0x380;
	[sflag:s0] =	ssyncadd.s32 $0xFFFFF000  }
0x49: {  	[tilespmem:s19], [sflag:$0x4] =	stream.indirect.gather [hbm4b:s3+s12], $0x20, s28, s12, $0xb8;
	[tilespmem:$0xDD40] =	vst v63  }
0x4a: {  	_ =	swait.ge [sflag:s20], $0x1000  }
0x4b: {  	[sflag:s20] =	ssyncset.done $0x0  }
0x4c: {  	s28 =	simm.s32 $0x2A00;
	[sflag:s20] =	ssyncadd.s32 $0xFFFFF000  }
0x4d: {  	[spmem:s1] =	stream.indirect.scatter.add.f32 [tilespmem:s14], [sflag:$0x6], $0x20, s28, s12, $0xb8;
	[tilespmem:$0xDD40] =	vst v63  }
0x4e: {  	_ =	swait.ge [sflag:s22], $0x1000  }
0x4f: {  	[sflag:s22] =	ssyncset.done $0x0  }
0x50: {  	s28 =	simm.s32 $0x400;
	[sflag:s22] =	ssyncadd.s32 $0xFFFFF000  }
0x51: {  	[tilespmem:s13], [sflag:$0x1] =	stream.indirect.gather [hbm4b:s3+s12], $0x20, s28, s12, $0xb8;
	[tilespmem:$0xDD40] =	vst v63  }
0x52: {  	_ =	swait.ge [sflag:s24], $0x1000  }
0x53: {  	[sflag:s24] =	ssyncset.done $0x0  }
0x54: {  	s28 =	simm.s32 $0x2A80;
	[sflag:s24] =	ssyncadd.s32 $0xFFFFF000  }
0x55: {  	[spmem:s1] =	stream.indirect.scatter.add.f32 [tilespmem:s16], [sflag:$0x7], $0x20, s28, s12, $0xb8;
	[tilespmem:$0xDD40] =	vst v63  }
0x56: {  	_ =	swait.ge [sflag:s26], $0x1000  }
0x57: {  	[sflag:s26] =	ssyncset.done $0x0  }
0x58: {  	s28 =	simm.s32 $0x480;
	[sflag:s26] =	ssyncadd.s32 $0xFFFFF000  }
0x59: {  	[tilespmem:s14], [sflag:$0x2] =	stream.indirect.gather [hbm4b:s3+s12], $0x20, s28, s12, $0xb8;
	[tilespmem:$0xDD40] =	vst v63  }
0x5a: {  	_ =	swait.ge [sflag:s29], $0x1000  }
0x5b: {  	[sflag:s29] =	ssyncset.done $0x0  }
0x5c: {  	s30 =	simm.s32 $0x2B00;
	s28 =	simm.s32 $0x800;
	[sflag:s29] =	ssyncadd.s32 $0xFFFFF000  }
.LBB2_2:
0x5d: {  	[spmem:s1] =	stream.indirect.scatter.add.f32 [tilespmem:s19], [sflag:$0x8], $0x20, s30, s12, $0xb8;
	[tilespmem:$0xDD40] =	vst v63  }
0x5e: {  	s30 =	smov.u32 s28  }
0x5f: {  	p1 =	sne.s32 s28, $0x8800;
	s28 =	sadd.s32 $0x800, s28;
	_ =	swait.ge [sflag:s31], $0x1000  }
0x60: {  	s30 =	sshra.s32 s30, $0x2;
	[sflag:s31] =	ssyncset.done $0x0  }
0x61: {  	s15 =	sadd.s32 $0x300, s30;
	[sflag:s31] =	ssyncadd.s32 $0xFFFFF000  }
0x62: {  	[tilespmem:s16], [sflag:$0x3] =	stream.indirect.gather [hbm4b:s3+s12], $0x20, s15, s12, $0xb8;
	[tilespmem:$0xDD40] =	vst v63  }
0x63: {  	_ =	swait.ge [sflag:s17], $0x1000  }
0x64: {  	[sflag:s17] =	ssyncset.done $0x0  }
0x65: {  	s15 =	sadd.s32 $0x2980, s30;
	[sflag:s17] =	ssyncadd.s32 $0xFFFFF000  }
0x66: {  	[spmem:s1] =	stream.indirect.scatter.add.f32 [tilespmem:s13], [sflag:$0x5], $0x20, s15, s12, $0xb8;
	[tilespmem:$0xDD40] =	vst v63  }
0x67: {  	_ =	swait.ge [sflag:s0], $0x1000  }
0x68: {  	[sflag:s0] =	ssyncset.done $0x0  }
0x69: {  	s15 =	sadd.s32 $0x380, s30;
	[sflag:s0] =	ssyncadd.s32 $0xFFFFF000  }
0x6a: {  	[tilespmem:s19], [sflag:$0x4] =	stream.indirect.gather [hbm4b:s3+s12], $0x20, s15, s12, $0xb8;
	[tilespmem:$0xDD40] =	vst v63  }
0x6b: {  	_ =	swait.ge [sflag:s20], $0x1000  }
0x6c: {  	[sflag:s20] =	ssyncset.done $0x0  }
0x6d: {  	s15 =	sadd.s32 $0x2A00, s30;
	[sflag:s20] =	ssyncadd.s32 $0xFFFFF000  }
0x6e: {  	[spmem:s1] =	stream.indirect.scatter.add.f32 [tilespmem:s14], [sflag:$0x6], $0x20, s15, s12, $0xb8;
	[tilespmem:$0xDD40] =	vst v63  }
0x6f: {  	_ =	swait.ge [sflag:s22], $0x1000  }
0x70: {  	[sflag:s22] =	ssyncset.done $0x0  }
0x71: {  	s15 =	sadd.s32 $0x400, s30;
	[sflag:s22] =	ssyncadd.s32 $0xFFFFF000  }
0x72: {  	[tilespmem:s13], [sflag:$0x1] =	stream.indirect.gather [hbm4b:s3+s12], $0x20, s15, s12, $0xb8;
	[tilespmem:$0xDD40] =	vst v63  }
0x73: {  	_ =	swait.ge [sflag:s24], $0x1000  }
0x74: {  	[sflag:s24] =	ssyncset.done $0x0  }
0x75: {  	s15 =	sadd.s32 $0x2A80, s30;
	[sflag:s24] =	ssyncadd.s32 $0xFFFFF000  }
0x76: {  	[spmem:s1] =	stream.indirect.scatter.add.f32 [tilespmem:s16], [sflag:$0x7], $0x20, s15, s12, $0xb8;
	[tilespmem:$0xDD40] =	vst v63  }
0x77: {  	_ =	swait.ge [sflag:s26], $0x1000  }
0x78: {  	[sflag:s26] =	ssyncset.done $0x0  }
.Ltmp0:
0x79: {  	s15 =	sadd.s32 $0x480, s30;
	[sflag:s26] =	ssyncadd.s32 $0xFFFFF000;
	(pc) =	sbr.rel @p1 .LBB2_2-.Ltmp0, $4  }
0x7a: {  	[tilespmem:s14], [sflag:$0x2] =	stream.indirect.gather [hbm4b:s3+s12], $0x20, s15, s12, $0xb8;
	[tilespmem:$0xDD40] =	vst v63  }
0x7b: {  	_ =	swait.ge [sflag:s29], $0x1000  }
0x7c: {  	[sflag:s29] =	ssyncset.done $0x0  }
0x7d: {  	s30 =	sadd.s32 $0x2B00, s30;
	[sflag:s29] =	ssyncadd.s32 $0xFFFFF000  }
0x7e: {  	[spmem:s1] =	stream.indirect.scatter.add.f32 [tilespmem:s19], [sflag:$0x8], $0x20, s30, s12, $0xb8;
	[tilespmem:$0xDD40] =	vst v63  }
0x7f: {  	_ =	swait.ge [sflag:s31], $0x1000  }
0x80: {  	[sflag:s31] =	ssyncset.done $0x0  }
0x81: {  	s15 =	simm.s32 $0x2700;
	[sflag:s31] =	ssyncadd.s32 $0xFFFFF000  }
0x82: {  	[tilespmem:s16], [sflag:$0x3] =	stream.indirect.gather [hbm4b:s3+s12], $0x20, s15, s12, $0xb8;
	[tilespmem:$0xDD40] =	vst v63  }
0x83: {  	_ =	swait.ge [sflag:s17], $0x1000  }
0x84: {  	[sflag:s17] =	ssyncset.done $0x0  }
0x85: {  	[sflag:s17] =	ssyncadd.s32 $0xFFFFF000  }
0x86: {  	[spmem:s1] =	stream.indirect.scatter.add.f32 [tilespmem:s13], [sflag:$0x5], $0x20, s18, s12, $0xb8;
	[tilespmem:$0xDD40] =	vst v63  }
0x87: {  	_ =	swait.ge [sflag:s0], $0x1000  }
0x88: {  	[sflag:s0] =	ssyncset.done $0x0  }
0x89: {  	[sflag:s0] =	ssyncadd.s32 $0xFFFFF000  }
0x8a: {  	_ =	swait.ge [sflag:s20], $0x1000  }
0x8b: {  	[sflag:s20] =	ssyncset.done $0x0  }
0x8c: {  	[sflag:s20] =	ssyncadd.s32 $0xFFFFF000  }
0x8d: {  	[spmem:s1] =	stream.indirect.scatter.add.f32 [tilespmem:s14], [sflag:$0x6], $0x20, s21, s12, $0xb8;
	[tilespmem:$0xDD40] =	vst v63  }
0x8e: {  	_ =	swait.ge [sflag:s22], $0x1000  }
0x8f: {  	[sflag:s22] =	ssyncset.done $0x0  }
0x90: {  	[sflag:s22] =	ssyncadd.s32 $0xFFFFF000  }
0x91: {  	_ =	swait.ge [sflag:s24], $0x1000  }
0x92: {  	[sflag:s24] =	ssyncset.done $0x0  }
0x93: {  	[sflag:s24] =	ssyncadd.s32 $0xFFFFF000  }
0x94: {  	[spmem:s1] =	stream.indirect.scatter.add.f32 [tilespmem:s16], [sflag:$0x7], $0x20, s23, s12, $0xb8;
	[tilespmem:$0xDD40] =	vst v63  }
0x95: {  	_ =	swait.ge [sflag:s26], $0x1000  }
0x96: {  	[sflag:s26] =	ssyncset.done $0x0  }
0x97: {  	[sflag:s26] =	ssyncadd.s32 $0xFFFFF000  }
0x98: {  	_ =	swait.ge [sflag:s31], $0x1000  }
0x99: {  	[sflag:s31] =	ssyncset.done $0x0  }
0x9a: {  	s25 =	sadd.s32 $0x1, s25;
	[sflag:s31] =	ssyncadd.s32 $0xFFFFF000  }
0x9b: {  	p1 =	sne.s32 s25, s8;
	s15 =	simm.s32 @!p0 $0x1C09;
	[bflag:$0x0] =	sbarrier.arrive $0xFFFF  }
0x9c: {  	[hbm:s7], [sflag:s15] =	dma.local @!p0 [spmem:s11], $0x9C80  }
.Ltmp1:
0x9d: {  	_ = 	snop;
	(pc) =	sbr.rel @p1 .LBB2_1-.Ltmp1, $4  }
0x9e: {  	s15 =	simm.s32 @!p0 $0x9  }
0x9f: {  	_ =	swait.ge @!p0 [sflag:s15], $0x9C80  }
0xa0: {  	[sflag:s15] =	ssyncset.done @!p0 $0x0  }
0xa1: {  	[sflag:s15] =	ssyncadd.s32 @!p0 $0xFFFF6380  }
0xa2: {  	_ =	sfence.sel $0x180000  }
0xa3: {  	[bflag:$0x0] =	sbarrier.arrive $0xFFFF  }
0xa4: {  	_ =	strace $0x9000004D  }
0xa5: {  	[bflag:$0x2] =	sbarrier.arrive $0xFFFF  }
0xa6: {  	s0 =	rddreg [dreg:$0x3]  }
0xa7: {  	s0 =	sadd.s32 @!p0 $0x100000, s0  }
0xa8: {  	[sflag:s0] =	ssyncadd.tile.s32 @!p0 $0x1;
	_ =	shalt  }
.Lfunc_end2:
_tile_overlayer_lowered:
.L_overlay_start_2:
0xa9: {  	(tag) =	ssettag $0x2  }
0xaa: {  	s0 =	rddreg [dreg:$0x0];
	s2 =	stileid.u32  }
0xab: {  	s1 =	rddreg [dreg:$0x1];
	p0 =	sne.s32 s2, $0x0  }
0xac: {  	s3 =	rddreg [dreg:$0x2];
	[bflag:$0x3] =	sbarrier.arrive $0xFFFF;
	s2 =	simm.s32 @!p0 $0x1C09  }
0xad: {  	[timem:s3], [sflag:s2] =	dma.local @!p0 [hbm:s0], s1  }
0xae: {  	s0 =	simm.s32 @!p0 $0x9  }
0xaf: {  	_ =	swait.ge @!p0 [sflag:s0], s1  }
0xb0: {  	s1 =	ssub.s32 @!p0 $0x0, s1;
	[sflag:s0] =	ssyncset.done @!p0 $0x0  }
0xb1: {  	[sflag:s0] =	ssyncadd.s32 @!p0 s1  }
0xb2: {  	[bflag:$0x3] =	sbarrier.arrive $0xFFFF  }
0xb3: {  	_ =	shalt  }

// kernel: kernel.8.cloned.1.call-start
scs
__scs_entry_jumppad:
0x0: {  	(pc) =	sbr.rel $0x88, $3  }
0x1: {  	(tag) =	ssettag $0x0;
	lr =	simm.s32 $0x1  }
0x2: {  	[smem:$0x3F9B] =	sst lr;
	_ =	strace $0xD0000000  }
0x3: {  	_ = 	snop  }
0x4: {  	_ = 	snop  }
0x5: {  	_ = 	snop  }
0x6: {  	_ = 	snop  }
0x7: {  	_ = 	snop  }
__scs_overlays_trampoline_lowered:
0x8: {  	[smem:$0x3FAA] =	sst s0  }
0x9: {  	[smem:$0x3FAB] =	sst s1  }
0xa: {  	[smem:$0x3FAC] =	sst s2  }
0xb: {  	[smem:$0x3FAD] =	sst s3  }
0xc: {  	[smem:$0x3FAE] =	sst s4  }
0xd: {  	[smem:$0x3FAF] =	sst s5  }
0xe: {  	[smem:$0x3FB0] =	sst s6  }
0xf: {  	[smem:$0x3FB1] =	sst s7  }
0x10: {  	[smem:$0x3FB2] =	sst s8  }
0x11: {  	[smem:$0x3FB3] =	sst s9;
	s0 =	simm.s32 @!p0 $0x0  }
0x12: {  	s1 =	sld [smem:$0x3F99];
	s0 =	simm.s32 @p0 $0x1  }
0x13: {  	[smem:$0x3FB4] =	sst s0;
	s0 =	simm.s32 @!p1 $0x0  }
0x14: {  	s2 =	sld [smem:$0x3F98];
	s0 =	simm.s32 @p1 $0x1  }
0x15: {  	[smem:$0x3FB5] =	sst s0;
	s0 =	simm.s32 @!p2 $0x0  }
0x16: {  	s3 =	sld [smem:$0x3FDB];
	s0 =	simm.s32 @p2 $0x1  }
0x17: {  	s4 =	simm.s32 $0x1BF5;
	[smem:$0x3FB7] =	sst s0  }
0x18: {  	s0 =	sld [smem:$0x3F9A];
	_ =	swait.ge [sflag:s4], $0x0  }
0x19: {  	s7 =	sld [smem:$0x3F9B]  }
0x1a: {  	s8 =	sadd.s32 $0xFFFFE003, lr  }
0x1b: {  	s9 =	sadd.s32 $0xFFFFFEF7, lr;
	s5 =	simm.s32 $0xFFFFFFFF;
	p2 =	slt.u32 s8, $0xFFFFF086  }
0x1c: {  	p1 =	slt.u32 s9, $0xF7A;
	s5 =	simm.s32 @!p2 $0x0  }
0x1d: {  	s5 =	simm.s32 @p1 $0x1;
	p0 =	seq.s32 s7, s2  }
0x1e: {  	s7 =	smul.u32 @!p0 $0xF7A, s2;
	p2 =	seq.s32 @!p0 s5, $0x0  }
0x1f: {  	s9 =	smul.u32 $0xF7A, s1;
	s8 =	simm.s32 @!p0 $0x1BF5;
	p2 =	por !p2, p0  }
0x20: {  	[sflag:s8] =	ssyncset.s32 @!p0 $0xFFFFF086;
	s6 =	sadd.s32 @!p0 s3, s7;
	s7 =	simm.s32 @!p0 $0x108  }
0x21: {  	s3 =	sadd.s32 s3, s9;
	s6 =	sadd.s32 @!p0 $0x88, s6;
	s7 =	simm.s32 @p2 $0x1082  }
0x22: {  	[simem:s7], [sflag:s8] =	dma.local @!p0 [hbm:s6], $0xF7A  }
0x23: {  	s9 =	sor.u32 $0xD0000000, s2;
	s6 =	simm.s32 $0x108;
	_ =	swait.ge @!p0 [sflag:s8], $0x0  }
0x24: {  	s3 =	sadd.s32 $0x88, s3;
	s6 =	simm.s32 @!p1 $0x1082;
	[sflag:s4] =	ssyncset.s32 $0xFFFFF086  }
0x25: {  	[simem:s6], [sflag:s4] =	dma.local [hbm:s3], $0xF7A  }
0x26: {  	[smem:$0x3F9B] =	sst s1;
	(tag) =	ssettag s2;
	_ =	strace s9  }
0x27: {  	s1 =	sld [smem:$0x3FAB]  }
0x28: {  	s2 =	sld [smem:$0x3FAC]  }
0x29: {  	s4 =	sld [smem:$0x3FAE]  }
0x2a: {  	p0 =	seq.s32 s5, $0x0;
	s5 =	sld [smem:$0x3FAF]  }
0x2b: {  	s6 =	sld [smem:$0x3FB0]  }
0x2c: {  	s7 =	sld [smem:$0x3FB1]  }
0x2d: {  	s3 =	simm.s32 $0x108;
	s8 =	sld [smem:$0x3FB2]  }
0x2e: {  	s3 =	simm.s32 @!p0 $0x1082;
	s9 =	sld [smem:$0x3FB3]  }
0x2f: {  	lr =	sadd.s32 s0, s3;
	s0 =	sld [smem:$0x3FAA]  }
0x30: {  	s3 =	sld [smem:$0x3FAD]  }
0x31: {  	[smem:$0x3FB6] =	sst s10  }
0x32: {  	s10 =	sld [smem:$0x3FB4];
	_ =	sdelay $0x3  }
0x33: {  	p0 =	seq.s32 s10, $0x1;
	s10 =	sld [smem:$0x3FB6];
	_ =	sdelay $0x3  }
0x34: {  	[smem:$0x3FB6] =	sst s10  }
0x35: {  	s10 =	sld [smem:$0x3FB5];
	_ =	sdelay $0x3  }
0x36: {  	p1 =	seq.s32 s10, $0x1;
	s10 =	sld [smem:$0x3FB6];
	_ =	sdelay $0x3  }
0x37: {  	[smem:$0x3FB6] =	sst s10  }
0x38: {  	s10 =	sld [smem:$0x3FB7]  }
0x39: {  	_ = 	snop;
	(pc) =	sbr.ind lr, $3  }
0x3a: {  	_ = 	snop  }
0x3b: {  	_ = 	snop  }
0x3c: {  	p2 =	seq.s32 s10, $0x1;
	s10 =	sld [smem:$0x3FB6]  }
0x3d: {  	_ =	shalt  }
0x3e: {  	_ =	shalt  }
0x3f: {  	_ =	shalt  }
0x40: {  	_ =	shalt  }
0x41: {  	_ =	shalt  }
0x42: {  	_ =	shalt  }
0x43: {  	_ =	shalt  }
0x44: {  	_ =	shalt  }
0x45: {  	_ =	shalt  }
0x46: {  	_ =	shalt  }
0x47: {  	_ =	shalt  }
0x48: {  	_ =	shalt  }
0x49: {  	_ =	shalt  }
0x4a: {  	_ =	shalt  }
0x4b: {  	_ =	shalt  }
0x4c: {  	_ =	shalt  }
0x4d: {  	_ =	shalt  }
0x4e: {  	_ =	shalt  }
0x4f: {  	_ =	shalt  }
0x50: {  	_ =	shalt  }
0x51: {  	_ =	shalt  }
0x52: {  	_ =	shalt  }
0x53: {  	_ =	shalt  }
0x54: {  	_ =	shalt  }
0x55: {  	_ =	shalt  }
0x56: {  	_ =	shalt  }
0x57: {  	_ =	shalt  }
0x58: {  	_ =	shalt  }
0x59: {  	_ =	shalt  }
0x5a: {  	_ =	shalt  }
0x5b: {  	_ =	shalt  }
0x5c: {  	_ =	shalt  }
0x5d: {  	_ =	shalt  }
0x5e: {  	_ =	shalt  }
0x5f: {  	_ =	shalt  }
0x60: {  	_ =	shalt  }
0x61: {  	_ =	shalt  }
0x62: {  	_ =	shalt  }
0x63: {  	_ =	shalt  }
0x64: {  	_ =	shalt  }
0x65: {  	_ =	shalt  }
0x66: {  	_ =	shalt  }
0x67: {  	_ =	shalt  }
0x68: {  	_ =	shalt  }
0x69: {  	_ =	shalt  }
0x6a: {  	_ =	shalt  }
0x6b: {  	_ =	shalt  }
0x6c: {  	_ =	shalt  }
0x6d: {  	_ =	shalt  }
0x6e: {  	_ =	shalt  }
0x6f: {  	_ =	shalt  }
0x70: {  	_ =	shalt  }
0x71: {  	_ =	shalt  }
0x72: {  	_ =	shalt  }
0x73: {  	_ =	shalt  }
0x74: {  	_ =	shalt  }
0x75: {  	_ =	shalt  }
0x76: {  	_ =	shalt  }
0x77: {  	_ =	shalt  }
0x78: {  	_ =	shalt  }
0x79: {  	_ =	shalt  }
0x7a: {  	_ =	shalt  }
0x7b: {  	_ =	shalt  }
0x7c: {  	_ =	shalt  }
0x7d: {  	_ =	shalt  }
0x7e: {  	_ =	shalt  }
0x7f: {  	_ =	shalt  }
0x80: {  	_ =	shalt  }
0x81: {  	_ =	shalt  }
0x82: {  	_ =	shalt  }
0x83: {  	_ =	shalt  }
0x84: {  	_ =	shalt  }
0x85: {  	_ =	shalt  }
0x86: {  	_ =	shalt  }
0x87: {  	_ =	shalt  }
.Lfunc_end0:
.L_simem_size_0:
called_computation_lowered:
.L_overlay_start_0:
0x88: {  	s2 =	sld [smem:$0x3FD9]  }
0x89: {  	s3 =	sld [smem:$0x3FFE];
	_ =	sdelay $0x1  }
0x8a: {  	s1 =	srdreg.scid  }
0x8b: {  	s0 =	sand.u32 $0x1, s1  }
0x8c: {  	s17 =	sshll.u32 s0, $0xA;
	s2 =	sadd.s32 s3, s2  }
0x8d: {  	s2 =	sadd.s32 s2, s17  }
0x8e: {  	[smem:$0x3FC2] =	sst s2  }
0x8f: {  	_ = 	snop  }
0x90: {  	s2 =	sld [smem:$0x3FD0];
	(tm) =	ssettm $0x1  }
0x91: {  	s18 =	sld [smem:$0x3FFB];
	_ =	sdelay $0x3  }
0x92: {  	_ =	strace s18  }
0x93: {  	s3 =	sld [smem:$0x3FFC];
	_ =	sdelay $0x3  }
0x94: {  	_ =	strace s3  }
0x95: {  	s3 =	sld [smem:$0x3FFD];
	_ =	sdelay $0x3  }
0x96: {  	_ =	strace s3  }
0x97: {  	_ =	strace $0x8FFFFFFF  }
0x98: {  	s19 =	sld [smem:$0x3FDB];
	_ =	sdelay $0x1  }
0x99: {  	s4 =	simm.s32 $_scs_section_size  }
0x9a: {  	s5 =	simm.s32 $_size__tile_overlayer_lowered;
	s6 =	simm.s32 $_tile_overlayer_lowered  }
0x9b: {  	s22 =	simm.s32 $0x1BFF;
	s21 =	sshll.u32 s6, $0x1;
	s3 =	sadd.s32 s4, s19  }
0x9c: {  	s7 =	simm.s32 $0x0;
	s20 =	sshll.u32 s5, $0x1;
	s5 =	sadd.s32 s21, s3  }
0x9d: {  	[timem:s7], [sflag:s22] =	dma.local [hbm:s5], s20  }
0x9e: {  	_ =	swait.ge [sflag:s22], s20  }
0x9f: {  	s4 =	ssub.s32 $0x0, s20;
	[sflag:s22] =	ssyncset.done $0x0  }
0xa0: {  	[sflag:s22] =	ssyncadd.s32 s4;
	_ =	sdelay $0x1  }
0xa1: {  	s23 =	simm.s32 $0x1B8B  }
0xa2: {  	_ =	swait.ge [sflag:s23], $0x1  }
0xa3: {  	[sflag:s23] =	ssyncset.done $0x0  }
0xa4: {  	s25 =	simm.s32 $0x1B8E;
	s24 =	sld [smem:$0x3FFE];
	[sflag:s23] =	ssyncadd.s32 $0xFFFFFFFF  }
0xa5: {  	s26 =	simm.s32 $execute0_lowered;
	[smem:$0x3FD2] =	sst s25  }
0xa6: {  	s5 =	sshll.u32 s26, $0x1;
	_ =	strace $0x80000046;
	[dreg:$0x1] =	wrdreg $0xFFFFFFFF  }
0xa7: {  	s28 =	simm.s32 $_size_execute0_lowered;
	s3 =	sadd.s32 s3, s5;
	[dreg:$0x0] =	wrdreg $0x0  }
0xa8: {  	s5 =	sshll.u32 s28, $0x1;
	[dreg:$0x2] =	wrdreg s3  }
0xa9: {  	[dreg:$0x3] =	wrdreg s5  }
0xaa: {  	[dreg:$0x4] =	wrdreg $0xC0  }
0xab: {  	_ =	task [dreg:s7], $0x5FFFF  }
0xac: {  	[dreg:$0x1] =	wrdreg $0xFFFFFFFF  }
0xad: {  	[dreg:$0x0] =	wrdreg $0x60  }
0xae: {  	[dreg:$0x2] =	wrdreg s2  }
0xaf: {  	[dreg:$0x3] =	wrdreg s24  }
0xb0: {  	[dreg:$0x4] =	wrdreg $0x2F800  }
0xb1: {  	[dreg:$0x5] =	wrdreg $0x9  }
0xb2: {  	_ =	task.clear_ibuf [dreg:s7], $0x6FFFF;
	_ =	strace $0x90000046  }
0xb3: {  	s29 =	simm.s32 $0x9;
	_ =	strace $0x80000048  }
0xb4: {  	_ =	swait.ge [sflag:s29], $0x1  }
0xb5: {  	[sflag:s29] =	ssyncadd.s32 $0xFFFFFFFF  }
0xb6: {  	_ =	strace $0x90000048  }
0xb7: {  	_ =	sfence  }
0xb8: {  	s30 =	sld [smem:$0x0];
	_ =	sdelay $0x2  }
0xb9: {  	s31 =	sshll.u32 s1, $0xD;
	s1 =	sshrl.u32 s1, $0x2  }
0xba: {  	s3 =	sand.u32 $0x4000, s31;
	s1 =	sadd.s32 s1, s30  }
0xbb: {  	s0 =	sor.u32 s3, s0;
	s1 =	sshll.u32 s1, $0x11  }
0xbc: {  	s0 =	sor.u32 s1, s0  }
0xbd: {  	s0 =	sadd.s32 $0x8F2B, s0  }
0xbe: {  	[sflag:s0] =	ssyncadd.remote.s32 $0x1  }
0xbf: {  	_ =	sfence.sel $0xFFFF  }
0xc0: {  	[dreg:$0x0] =	wrdreg $0xFFFFFFFF;
	(pc) =	sbr.abs _section_cstart, $3  }
0xc1: {  	[dreg:$0x1] =	wrdreg $0xFFFFFFFF  }
0xc2: {  	_ =	task.clear_ibuf [dreg:s7], $0x2FFFF;
	_ =	strace $0x9FFFFFFF  }
0xc3: {  	(tm) =	ssettm $0x7FFFFFFF  }
tec
execute0_lowered:
.L_overlay_start_1:
0x0: {  	(tag) =	ssettag $0x1  }
0x1: {  	s5 =	rddreg [dreg:$0x0]  }
0x2: {  	s6 =	rddreg [dreg:$0x1]  }
0x3: {  	s1 =	rddreg [dreg:$0x2]  }
0x4: {  	s0 =	rddreg [dreg:$0x3];
	s2 =	simm.s32 $0x0  }
0x5: {  	s3 =	srdreg.scid;
	s8 =	stileid.u32;
	s12 =	simm.s32 $0x0  }
0x6: {  	[smem:$0x7FF] =	sst s2;
	s3 =	sand.u32 $0x1, s3;
	p0 =	sne.s32 s8, $0x0  }
0x7: {  	_ =	strace $0x80000047;
	s4 =	sshll.u32 s3, $0x4;
	s7 =	smul.u32 $0x4E40, s3  }
0x8: {  	s9 =	ssub.s32 $0x2, s3;
	s3 =	sadd.s32 $0x6800, s6;
	s4 =	sor.u32 s8, s4  }
0x9: {  	s10 =	sshrl.u32 s9, $0x1;
	s8 =	simm.s32 $0x1;
	s11 =	smul.u32 $0x4F0, s4  }
0xa: {  	s4 =	sadd.s32 $0x1800, s6;
	s6 =	sadd.s32 s7, s6;
	s31 =	ssub.s32 s9, s10  }
0xb: {  	s9 =	simm.s32 $0x2780;
	s10 =	sshrl.u32 @!p0 s1, $0x3;
	s6 =	sadd.s32 $0x6A00, s6  }
0xc: {  	s7 =	smax.u32 s31, $0x1;
	s5 =	sadd.s32 s5, s11;
	s11 =	simm.s32 $0x80  }
.LBB2_1:
0xd: {  	[tilespmem:s2], [sflag:$0x1] =	stream.linear.gather [hbm4b:s5+s2], $0x2780, $0x38;
	[tilespmem:$0x56A0] =	vst v63  }
0xe: {  	_ =	swait.ge [sflag:s8], $0x2780  }
0xf: {  	[sflag:s8] =	ssyncset.done $0x0  }
0x10: {  	[sflag:s8] =	ssyncadd.s32 $0xFFFFD880  }
0x11: {  	[tilespmem:s9], [sflag:$0x1] =	stream.linear.gather [hbm4b:s3+s2], $0x800, $0x38;
	[tilespmem:$0x56A0] =	vst v63  }
0x12: {  	_ =	swait.ge [sflag:s8], $0x800  }
0x13: {  	[sflag:s8] =	ssyncset.done $0x0  }
0x14: {  	s13 =	simm.s32 @!p0 $0x1C01;
	[sflag:s8] =	ssyncadd.s32 $0xFFFFF800  }
0x15: {  	[spmem:s10], [sflag:s13] =	dma.local @!p0 [hbm:s4], $0x4E40  }
0x16: {  	s13 =	simm.s32 @!p0 $0x1  }
0x17: {  	_ =	swait.ge @!p0 [sflag:s13], $0x4E40  }
0x18: {  	[sflag:s13] =	ssyncset.done @!p0 $0x0  }
0x19: {  	[sflag:s13] =	ssyncadd.s32 @!p0 $0xFFFFB1C0  }
0x1a: {  	s31 =	simm.s32 $0x0;
	[bflag:$0x0] =	sbarrier.arrive $0xFFFF  }
0x1b: {  	[spmem:s1] =	stream.indirect.scatter.add.f32 [tilespmem:s9], [sflag:$0x1], $0x10, s31, s11, $0xb8;
	[tilespmem:$0x56A0] =	vst v63  }
0x1c: {  	_ =	swait.ge [sflag:s8], $0x800  }
0x1d: {  	s13 =	simm.s32 $0x200;
	[sflag:s8] =	ssyncset.done $0x0  }
.LBB2_2:
0x1e: {  	s14 =	sshra.s32 s13, $0x2;
	[sflag:s8] =	ssyncadd.s32 $0xFFFFF800;
	p1 =	sne.s32 s13, $0x9C00  }
0x1f: {  	[spmem:s1] =	stream.indirect.scatter.add.f32 [tilespmem:s9], [sflag:$0x1], $0x10, s14, s11, $0xb8;
	[tilespmem:$0x56A0] =	vst v63  }
.Ltmp0:
0x20: {  	_ = 	snop;
	(pc) =	sbr.rel @p1 .LBB2_2-.Ltmp0, $4  }
0x21: {  	_ = 	snop  }
0x22: {  	s13 =	sadd.s32 $0x200, s13  }
0x23: {  	_ =	swait.ge [sflag:s8], $0x800  }
0x24: {  	[sflag:s8] =	ssyncset.done $0x0  }
0x25: {  	[sflag:s8] =	ssyncadd.s32 $0xFFFFF800;
	s12 =	sadd.s32 $0x1, s12  }
0x26: {  	s13 =	simm.s32 @!p0 $0x1C01;
	[bflag:$0x0] =	sbarrier.arrive $0xFFFF;
	p1 =	sne.s32 s12, s7  }
0x27: {  	[hbm:s6], [sflag:s13] =	dma.local @!p0 [spmem:s10], $0x4E40  }
.Ltmp1:
0x28: {  	_ = 	snop;
	(pc) =	sbr.rel @p1 .LBB2_1-.Ltmp1, $4  }
0x29: {  	s13 =	simm.s32 @!p0 $0x1  }
0x2a: {  	_ =	swait.ge @!p0 [sflag:s13], $0x4E40  }
0x2b: {  	[sflag:s13] =	ssyncset.done @!p0 $0x0  }
0x2c: {  	[sflag:s13] =	ssyncadd.s32 @!p0 $0xFFFFB1C0  }
0x2d: {  	_ =	sfence.sel $0x180000  }
0x2e: {  	[bflag:$0x0] =	sbarrier.arrive $0xFFFF  }
0x2f: {  	_ =	strace $0x90000047  }
0x30: {  	s0 =	sadd.s32 @!p0 $0x100000, s0;
	[bflag:$0x2] =	sbarrier.arrive $0xFFFF  }
0x31: {  	[sflag:s0] =	ssyncadd.tile.s32 @!p0 $0x1;
	_ =	shalt  }
.Lfunc_end2:
_tile_overlayer_lowered:
.L_overlay_start_2:
0x32: {  	(tag) =	ssettag $0x2  }
0x33: {  	s0 =	rddreg [dreg:$0x0];
	s2 =	stileid.u32  }
0x34: {  	s1 =	rddreg [dreg:$0x1];
	p0 =	sne.s32 s2, $0x0  }
0x35: {  	s3 =	rddreg [dreg:$0x2];
	[bflag:$0x3] =	sbarrier.arrive $0xFFFF;
	s2 =	simm.s32 @!p0 $0x1C01  }
0x36: {  	[timem:s3], [sflag:s2] =	dma.local @!p0 [hbm:s0], s1  }
0x37: {  	s0 =	simm.s32 @!p0 $0x1  }
0x38: {  	_ =	swait.ge @!p0 [sflag:s0], s1  }
0x39: {  	s1 =	ssub.s32 @!p0 $0x0, s1;
	[sflag:s0] =	ssyncset.done @!p0 $0x0  }
0x3a: {  	[sflag:s0] =	ssyncadd.s32 @!p0 s1  }
0x3b: {  	[bflag:$0x3] =	sbarrier.arrive $0xFFFF  }
0x3c: {  	_ =	shalt  }

</sc_bundles>
